<compile_context>
chip_gen: v7x
topology: tpu7x:2x2x1
jax: 0.10.2.dev20260603
libtpu: 0.0.44.dev20260713+nightly
codegen_flags: <defaults>
</compile_context>

<pallas_src>
import functools

import jax
import jax.numpy as jnp
from jax import lax
from jax.experimental import pallas as pl
from jax.experimental.pallas import tpu as pltpu
from jax.experimental.pallas import tpu_sc as plsc

B = 128
N = 8192
T = 2.0
L = 16
NC = 2
NS = 16
NW = NC * NS
SPW = B // NW
NCH = N // L
U4 = 4

_NA = 5
_NEG = float("-inf")


def _sc_entry(o1, o2, o3, o4, mi, tg, out_thr, out_max,
              buf, tgt_v, marg_v, thr_v, max_v, sem_a, sem_b, sem_c):
    cid = lax.axis_index("c")
    sid = lax.axis_index("s")
    wid = cid * NS + sid
    base = wid * SPW
    lanes = lax.iota(jnp.int32, L)
    zeros = jnp.zeros((L,), jnp.float32)
    neg = jnp.full((L,), _NEG, jnp.float32)

    arrs = [o1, o2, o3, o4, mi]
    blk = lambda r: r.at[pl.ds(base, SPW)]
    sems = [sem_a, sem_b]

    h0 = arrs[0].at[pl.ds(base, SPW), pl.ds(0, N // 2)]
    h1 = arrs[0].at[pl.ds(base, SPW), pl.ds(N // 2, N // 2)]
    pltpu.async_copy(h0, buf.at[0, :, pl.ds(0, N // 2)], sem_c)
    pltpu.async_copy(h1, buf.at[0, :, pl.ds(N // 2, N // 2)], sem_a)
    pltpu.async_copy(blk(arrs[1]), buf.at[1], sem_b)
    pltpu.sync_copy(tg, tgt_v)

    def fused_top2(slot, c0, chunks, init):
        def body(i, c):
            c = list(c)
            for j in range(U4):
                for r in range(SPW):
                    x = buf[slot, r, pl.ds((c0 + i * U4 + j) * L, L)]
                    t1, t2 = c[2 * r], c[2 * r + 1]
                    c[2 * r + 1] = jnp.maximum(t2, jnp.minimum(t1, x))
                    c[2 * r] = jnp.maximum(t1, x)
            return tuple(c)

        return lax.fori_loop(0, chunks // U4, body, init)

    def margins(slot, a, tops, gmax):
        for r in range(SPW):
            t1, t2 = tops[2 * r], tops[2 * r + 1]
            m1 = jnp.max(t1)
            ffs = plsc.all_reduce_ffs(t1 == jnp.broadcast_to(m1, (L,)))
            m2 = jnp.max(jnp.where(lanes == ffs, t2, t1))
            tcol = plsc.load_gather(
                tgt_v, [jnp.broadcast_to(base + r, (L,)).astype(jnp.int32)])
            tval = jnp.max(plsc.load_gather(
                buf, [jnp.broadcast_to(slot, (L,)).astype(jnp.int32),
                      jnp.broadcast_to(r, (L,)).astype(jnp.int32), tcol]))
            margin = jnp.where(tval == m1, m1 - m2, jnp.float32(0.0))
            marg_v[r] = jnp.where(lanes == a, margin, marg_v[r])
            gmax = jnp.where(a < 4, jnp.maximum(gmax, m1), gmax)
        return gmax

    for r in range(SPW):
        marg_v[r] = zeros

    init8 = (neg,) * (2 * SPW)

    pltpu.make_async_copy(h0, buf.at[0, :, pl.ds(0, N // 2)], sem_c).wait()
    tops = fused_top2(0, 0, NCH // 2, init8)
    pltpu.make_async_copy(h1, buf.at[0, :, pl.ds(N // 2, N // 2)],
                          sem_a).wait()
    tops = fused_top2(0, NCH // 2, NCH // 2, tops)
    gmax = margins(0, jnp.int32(0), tops, jnp.float32(_NEG))

    def arr_body(a, gmax):
        slot = lax.rem(a, 2)
        for k in range(1, _NA - 1):
            @pl.when(a == k)
            def _():
                pltpu.async_copy(blk(arrs[k + 1]), buf.at[(k + 1) % 2],
                                 sems[(k + 1) % 2])

        @pl.when(slot == 0)
        def _():
            pltpu.make_async_copy(blk(arrs[0]), buf.at[0], sem_a).wait()

        @pl.when(slot == 1)
        def _():
            pltpu.make_async_copy(blk(arrs[0]), buf.at[1], sem_b).wait()

        tops = fused_top2(slot, 0, NCH, init8)
        return margins(slot, a, tops, gmax)

    gmax = lax.fori_loop(1, _NA, arr_body, gmax)

    mask = lanes < _NA
    for r in range(SPW):
        v = marg_v[r]
        mx = jnp.max(jnp.where(mask, v, neg))
        e = jnp.where(mask, jnp.exp((v - mx) * jnp.float32(1.0 / T)), zeros)
        thr_v[r] = e / jnp.broadcast_to(jnp.sum(e), (L,))

    max_v[0] = jnp.broadcast_to(gmax, (L,))
    pltpu.sync_copy(thr_v, out_thr.at[pl.ds(base, SPW)])
    pltpu.sync_copy(max_v, out_max.at[pl.ds(wid, 1)])


@jax.jit
def _sc_call(o1, o2, o3, o4, mi, tg):
    mesh = plsc.VectorSubcoreMesh(core_axis_name="c", subcore_axis_name="s")
    entry = functools.partial(
        pl.kernel,
        out_type=[
            jax.ShapeDtypeStruct((B, L), jnp.float32),
            jax.ShapeDtypeStruct((NW, L), jnp.float32),
        ],
        mesh=mesh,
        compiler_params=pltpu.CompilerParams(needs_layout_passes=False),
        scratch_types=[
            pltpu.VMEM((2, SPW, N), jnp.float32),
            pltpu.VMEM((B,), jnp.int32),
            pltpu.VMEM((SPW, L), jnp.float32),
            pltpu.VMEM((SPW, L), jnp.float32),
            pltpu.VMEM((1, L), jnp.float32),
            pltpu.SemaphoreType.DMA,
            pltpu.SemaphoreType.DMA,
            pltpu.SemaphoreType.DMA,
        ],
    )(_sc_entry)
    return entry(o1, o2, o3, o4, mi, tg)


def kernel(outputs1, outputs2, outputs3, outputs4, mimic, targets, n_test):
    del n_test
    thr, pmax = _sc_call(outputs1, outputs2, outputs3, outputs4, mimic,
                         targets.astype(jnp.int32))
    return jnp.max(pmax), thr[:, :_NA]

# --- scband reference (transcript-rebuilt; emitter-appended) ---
"""Pipeline reference for scband-threshold-weights4-52699248721947 (READ-ONLY COPY).

The authoritative reference and input builder live on the scoring server;
editing this copy changes nothing except your own understanding.
"""

import jax, jax.numpy as jnp
import numpy as np

B = 128
N = 8192
T = 2.0

def setup_inputs(seed: int = 0) -> dict:
    key = jax.random.key(seed)
    k1, k2, k3, k4, k5, k6 = jax.random.split(key, 6)
    return {
        "outputs1": jax.random.normal(k1, (B, N), dtype=jnp.float32),
        "outputs2": jax.random.normal(k2, (B, N), dtype=jnp.float32),
        "outputs3": jax.random.normal(k3, (B, N), dtype=jnp.float32),
        "outputs4": jax.random.normal(k4, (B, N), dtype=jnp.float32),
        "mimic": jax.random.normal(k5, (B, N), dtype=jnp.float32),
        "targets": jax.random.randint(k6, (B,), 0, N, dtype=jnp.int64),
        "n_test": B,
    }

def _margin(o, targets):
    # per-sample: if o[i, targets[i]] is the max, margin = top1 - top2, else 0
    top2, _ = jax.lax.top_k(o, 2)  # [B, 2]
    tgt_val = jnp.take_along_axis(o, targets[:, None], axis=1)[:, 0]  # [B]
    return jnp.where(tgt_val == top2[:, 0], top2[:, 0] - top2[:, 1], jnp.zeros_like(tgt_val))

def reference(outputs1, outputs2, outputs3, outputs4, mimic, targets, n_test):
    d1 = _margin(outputs1, targets)
    d2 = _margin(outputs2, targets)
    d3 = _margin(outputs3, targets)
    d4 = _margin(outputs4, targets)
    m = _margin(mimic, targets)
    preds = jnp.stack([d1, d2, d3, d4, m], axis=1)  # [B, 5]
    out_threshold = jax.nn.softmax(preds / T, axis=1)  # softmax over the 5 margins per sample
    max_preds = jnp.max(jnp.stack([outputs1, outputs2, outputs3, outputs4], axis=0))
    return (max_preds, out_threshold)

if __name__ == "__main__":
    import jax
    _d = setup_inputs()
    print(jax.jit(kernel)(*tuple(_d.values())))

</pallas_src>

<mosaic_0001>
#map = affine_map<(d0, d1) -> (0, 0)>
#map1 = affine_map<(d0, d1) -> (0)>
module attributes {stable_mosaic.version = 14 : i64} {
  func.func @_sc_entry(%arg0: i32, %arg1: i32, %arg2: memref<128x8192xf32, #tpu.memory_space<hbm>>, %arg3: memref<128x8192xf32, #tpu.memory_space<hbm>>, %arg4: memref<128x8192xf32, #tpu.memory_space<hbm>>, %arg5: memref<128x8192xf32, #tpu.memory_space<hbm>>, %arg6: memref<128x8192xf32, #tpu.memory_space<hbm>>, %arg7: memref<128xi32, #tpu.memory_space<hbm>>, %arg8: memref<128x16xf32, #tpu.memory_space<hbm>>, %arg9: memref<32x16xf32, #tpu.memory_space<hbm>>, %arg10: memref<2x4x8192xf32, #tpu.memory_space<vmem>>, %arg11: memref<128xi32, #tpu.memory_space<vmem>>, %arg12: memref<4x16xf32, #tpu.memory_space<vmem>>, %arg13: memref<4x16xf32, #tpu.memory_space<vmem>>, %arg14: memref<1x16xf32, #tpu.memory_space<vmem>>, %arg15: memref<!tpu.dma_semaphore, #tpu.memory_space<semaphore_mem>>, %arg16: memref<!tpu.dma_semaphore, #tpu.memory_space<semaphore_mem>>, %arg17: memref<!tpu.dma_semaphore, #tpu.memory_space<semaphore_mem>>) attributes {dimension_semantics = [#tpu.dimension_semantics<core_parallel>, #tpu.dimension_semantics<subcore_parallel>], iteration_bounds = array<i64: 2, 16>, scalar_prefetch = 0 : i64, scratch_operands = 8 : i64, tpu.core_type = #tpu.core_type<sc_vector_subcore>, window_params = [{transform_indices = #map}, {transform_indices = #map}, {transform_indices = #map}, {transform_indices = #map}, {transform_indices = #map}, {transform_indices = #map1}, {transform_indices = #map}, {transform_indices = #map}]} {
    %mul3A = arith.constant 16 : i32
    %mul3A_0 = arith.muli %arg0, %mul3A : i32
    %add3A = arith.addi %mul3A_0, %arg1 : i32
    %mul3A_1 = arith.constant 4 : i32
    %mul3A_2 = arith.muli %add3A, %mul3A_1 : i32
    %iota3A = tpu.iota {dimensions = array<i32: 0>} : vector<16xi32>
    %broadcast_in_dim3A = arith.constant 0.000000e+00 : f32
    %broadcast_in_dim3A_3 = vector.broadcast %broadcast_in_dim3A : f32 to vector<16xf32>
    %broadcast_in_dim3A_4 = arith.constant 0xFF800000 : f32
    %broadcast_in_dim3A_5 = vector.broadcast %broadcast_in_dim3A_4 : f32 to vector<16xf32>
    %dma_start3A = arith.constant 0 : i32
    %dma_start3A_6 = arith.constant 0 : i32
    %dma_start3A_7 = arith.constant 0 : i32
    %dma_start3A_8 = tpu.memref_slice %arg10[%dma_start3A, %dma_start3A_6, %dma_start3A_7] : memref<2x4x8192xf32, #tpu.memory_space<vmem>> -> memref<1x4x4096xf32, #tpu.memory_space<vmem>>
    %dma_start3A_9 = tpu.memref_squeeze %dma_start3A_8 : memref<1x4x4096xf32, #tpu.memory_space<vmem>> -> memref<4x4096xf32, #tpu.memory_space<vmem>>
    %dma_start3A_10 = arith.constant 0 : i32
    %dma_start3A_11 = tpu.memref_slice %arg2[%mul3A_2, %dma_start3A_10] : memref<128x8192xf32, #tpu.memory_space<hbm>> -> memref<4x4096xf32, #tpu.memory_space<hbm>>
    %dma_start3A_12 = arith.constant 0 : i32
    %dma_start3A_13 = arith.constant 0 : i32
    %dma_start3A_14 = tpu.memref_slice %arg10[%dma_start3A, %dma_start3A_12, %dma_start3A_13] : memref<2x4x8192xf32, #tpu.memory_space<vmem>> -> memref<1x4x4096xf32, #tpu.memory_space<vmem>>
    %dma_start3A_15 = tpu.memref_squeeze %dma_start3A_14 : memref<1x4x4096xf32, #tpu.memory_space<vmem>> -> memref<4x4096xf32, #tpu.memory_space<vmem>>
    %dma_start3A_16 = arith.constant 0 : i32
    %dma_start3A_17 = tpu.memref_slice %arg2[%mul3A_2, %dma_start3A_16] : memref<128x8192xf32, #tpu.memory_space<hbm>> -> memref<4x4096xf32, #tpu.memory_space<hbm>>
    tpu.enqueue_dma source(%dma_start3A_17 : memref<4x4096xf32, #tpu.memory_space<hbm>>) target(%dma_start3A_15 : memref<4x4096xf32, #tpu.memory_space<vmem>>) target_semaphore(%arg17 : memref<!tpu.dma_semaphore, #tpu.memory_space<semaphore_mem>>)
    %dma_start3A_18 = arith.constant 0 : i32
    %dma_start3A_19 = arith.constant 0 : i32
    %dma_start3A_20 = arith.constant 4096 : i32
    %dma_start3A_21 = tpu.memref_slice %arg10[%dma_start3A_18, %dma_start3A_19, %dma_start3A_20] : memref<2x4x8192xf32, #tpu.memory_space<vmem>> -> memref<1x4x4096xf32, #tpu.memory_space<vmem>>
    %dma_start3A_22 = tpu.memref_squeeze %dma_start3A_21 : memref<1x4x4096xf32, #tpu.memory_space<vmem>> -> memref<4x4096xf32, #tpu.memory_space<vmem>>
    %dma_start3A_23 = arith.constant 4096 : i32
    %dma_start3A_24 = tpu.memref_slice %arg2[%mul3A_2, %dma_start3A_23] : memref<128x8192xf32, #tpu.memory_space<hbm>> -> memref<4x4096xf32, #tpu.memory_space<hbm>>
    %dma_start3A_25 = arith.constant 0 : i32
    %dma_start3A_26 = arith.constant 4096 : i32
    %dma_start3A_27 = tpu.memref_slice %arg10[%dma_start3A_18, %dma_start3A_25, %dma_start3A_26] : memref<2x4x8192xf32, #tpu.memory_space<vmem>> -> memref<1x4x4096xf32, #tpu.memory_space<vmem>>
    %dma_start3A_28 = tpu.memref_squeeze %dma_start3A_27 : memref<1x4x4096xf32, #tpu.memory_space<vmem>> -> memref<4x4096xf32, #tpu.memory_space<vmem>>
    %dma_start3A_29 = arith.constant 4096 : i32
    %dma_start3A_30 = tpu.memref_slice %arg2[%mul3A_2, %dma_start3A_29] : memref<128x8192xf32, #tpu.memory_space<hbm>> -> memref<4x4096xf32, #tpu.memory_space<hbm>>
    tpu.enqueue_dma source(%dma_start3A_30 : memref<4x4096xf32, #tpu.memory_space<hbm>>) target(%dma_start3A_28 : memref<4x4096xf32, #tpu.memory_space<vmem>>) target_semaphore(%arg15 : memref<!tpu.dma_semaphore, #tpu.memory_space<semaphore_mem>>)
    %dma_start3A_31 = arith.constant 1 : i32
    %dma_start3A_32 = arith.constant 0 : i32
    %dma_start3A_33 = arith.constant 0 : i32
    %dma_start3A_34 = tpu.memref_slice %arg10[%dma_start3A_31, %dma_start3A_32, %dma_start3A_33] : memref<2x4x8192xf32, #tpu.memory_space<vmem>> -> memref<1x4x8192xf32, #tpu.memory_space<vmem>>
    %dma_start3A_35 = tpu.memref_squeeze %dma_start3A_34 : memref<1x4x8192xf32, #tpu.memory_space<vmem>> -> memref<4x8192xf32, #tpu.memory_space<vmem>>
    %dma_start3A_36 = arith.constant 0 : i32
    %dma_start3A_37 = tpu.memref_slice %arg3[%mul3A_2, %dma_start3A_36] : memref<128x8192xf32, #tpu.memory_space<hbm>> -> memref<4x8192xf32, #tpu.memory_space<hbm>>
    %dma_start3A_38 = arith.constant 0 : i32
    %dma_start3A_39 = arith.constant 0 : i32
    %dma_start3A_40 = tpu.memref_slice %arg10[%dma_start3A_31, %dma_start3A_38, %dma_start3A_39] : memref<2x4x8192xf32, #tpu.memory_space<vmem>> -> memref<1x4x8192xf32, #tpu.memory_space<vmem>>
    %dma_start3A_41 = tpu.memref_squeeze %dma_start3A_40 : memref<1x4x8192xf32, #tpu.memory_space<vmem>> -> memref<4x8192xf32, #tpu.memory_space<vmem>>
    %dma_start3A_42 = arith.constant 0 : i32
    %dma_start3A_43 = tpu.memref_slice %arg3[%mul3A_2, %dma_start3A_42] : memref<128x8192xf32, #tpu.memory_space<hbm>> -> memref<4x8192xf32, #tpu.memory_space<hbm>>
    tpu.enqueue_dma source(%dma_start3A_43 : memref<4x8192xf32, #tpu.memory_space<hbm>>) target(%dma_start3A_41 : memref<4x8192xf32, #tpu.memory_space<vmem>>) target_semaphore(%arg16 : memref<!tpu.dma_semaphore, #tpu.memory_space<semaphore_mem>>)
    "tpu.region"() ({
      %run_scoped3A = tpu.sem_alloc : memref<!tpu.dma_semaphore, #tpu.memory_space<semaphore_mem>>
      tpu.enqueue_dma source(%arg7 : memref<128xi32, #tpu.memory_space<hbm>>) target(%arg11 : memref<128xi32, #tpu.memory_space<vmem>>) target_semaphore(%run_scoped3A : memref<!tpu.dma_semaphore, #tpu.memory_space<semaphore_mem>>)
      tpu.wait_dma2 semaphore(%run_scoped3A : memref<!tpu.dma_semaphore, #tpu.memory_space<semaphore_mem>>) src(%arg7 : memref<128xi32, #tpu.memory_space<hbm>>) dst(%arg11 : memref<128xi32, #tpu.memory_space<vmem>>)
      tpu.yield
    }) : () -> ()
    %swap3A = arith.constant 0 : i32
    %swap3A_44 = arith.index_cast %swap3A : i32 to index
    %swap3A_45 = arith.constant 0 : index
    %swap3A_46 = tpu.vector_load %arg12[%swap3A_44, %swap3A_45] {strides = array<i32>} : memref<4x16xf32, #tpu.memory_space<vmem>>, vector<16xf32>,
    tpu.vector_store %arg12[%swap3A_44, %swap3A_45], %broadcast_in_dim3A_3 {strides = array<i32>} : memref<4x16xf32, #tpu.memory_space<vmem>>, vector<16xf32>,
    %swap3A_47 = arith.constant 1 : i32
    %swap3A_48 = arith.index_cast %swap3A_47 : i32 to index
    %swap3A_49 = arith.constant 0 : index
    %swap3A_50 = tpu.vector_load %arg12[%swap3A_48, %swap3A_49] {strides = array<i32>} : memref<4x16xf32, #tpu.memory_space<vmem>>, vector<16xf32>,
    tpu.vector_store %arg12[%swap3A_48, %swap3A_49], %broadcast_in_dim3A_3 {strides = array<i32>} : memref<4x16xf32, #tpu.memory_space<vmem>>, vector<16xf32>,
    %swap3A_51 = arith.constant 2 : i32
    %swap3A_52 = arith.index_cast %swap3A_51 : i32 to index
    %swap3A_53 = arith.constant 0 : index
    %swap3A_54 = tpu.vector_load %arg12[%swap3A_52, %swap3A_53] {strides = array<i32>} : memref<4x16xf32, #tpu.memory_space<vmem>>, vector<16xf32>,
    tpu.vector_store %arg12[%swap3A_52, %swap3A_53], %broadcast_in_dim3A_3 {strides = array<i32>} : memref<4x16xf32, #tpu.memory_space<vmem>>, vector<16xf32>,
    %swap3A_55 = arith.constant 3 : i32
    %swap3A_56 = arith.index_cast %swap3A_55 : i32 to index
    %swap3A_57 = arith.constant 0 : index
    %swap3A_58 = tpu.vector_load %arg12[%swap3A_56, %swap3A_57] {strides = array<i32>} : memref<4x16xf32, #tpu.memory_space<vmem>>, vector<16xf32>,
    tpu.vector_store %arg12[%swap3A_56, %swap3A_57], %broadcast_in_dim3A_3 {strides = array<i32>} : memref<4x16xf32, #tpu.memory_space<vmem>>, vector<16xf32>,
    %dma_wait3A = arith.constant 0 : i32
    %dma_wait3A_59 = arith.constant 0 : i32
    %dma_wait3A_60 = arith.constant 0 : i32
    %dma_wait3A_61 = tpu.memref_slice %arg10[%dma_wait3A, %dma_wait3A_59, %dma_wait3A_60] : memref<2x4x8192xf32, #tpu.memory_space<vmem>> -> memref<1x4x4096xf32, #tpu.memory_space<vmem>>
    %dma_wait3A_62 = tpu.memref_squeeze %dma_wait3A_61 : memref<1x4x4096xf32, #tpu.memory_space<vmem>> -> memref<4x4096xf32, #tpu.memory_space<vmem>>
    %dma_wait3A_63 = arith.constant 0 : i32
    %dma_wait3A_64 = tpu.memref_slice %arg2[%mul3A_2, %dma_wait3A_63] : memref<128x8192xf32, #tpu.memory_space<hbm>> -> memref<4x4096xf32, #tpu.memory_space<hbm>>
    %dma_wait3A_65 = arith.constant 0 : i32
    %dma_wait3A_66 = arith.constant 0 : i32
    %dma_wait3A_67 = tpu.memref_slice %arg10[%dma_wait3A, %dma_wait3A_65, %dma_wait3A_66] : memref<2x4x8192xf32, #tpu.memory_space<vmem>> -> memref<1x4x4096xf32, #tpu.memory_space<vmem>>
    %dma_wait3A_68 = tpu.memref_squeeze %dma_wait3A_67 : memref<1x4x4096xf32, #tpu.memory_space<vmem>> -> memref<4x4096xf32, #tpu.memory_space<vmem>>
    %dma_wait3A_69 = arith.constant 0 : i32
    %dma_wait3A_70 = tpu.memref_slice %arg2[%mul3A_2, %dma_wait3A_69] : memref<128x8192xf32, #tpu.memory_space<hbm>> -> memref<4x4096xf32, #tpu.memory_space<hbm>>
    tpu.wait_dma2 semaphore(%arg17 : memref<!tpu.dma_semaphore, #tpu.memory_space<semaphore_mem>>) src(%dma_wait3A_70 : memref<4x4096xf32, #tpu.memory_space<hbm>>) dst(%dma_wait3A_68 : memref<4x4096xf32, #tpu.memory_space<vmem>>)
    %scan3A = arith.constant 0 : i32
    %scan3A_71 = arith.constant 64 : i32
    %scan3A_72 = arith.addi %scan3A, %scan3A_71 : i32
    %scan3A_73 = arith.constant 1 : i32
    %scan3A_74:8 = scf.for %scan3A_394 = %scan3A to %scan3A_72 step %scan3A_73 iter_args(%scan3A_395 = %broadcast_in_dim3A_5, %scan3A_396 = %broadcast_in_dim3A_5, %scan3A_397 = %broadcast_in_dim3A_5, %scan3A_398 = %broadcast_in_dim3A_5, %scan3A_399 = %broadcast_in_dim3A_5, %scan3A_400 = %broadcast_in_dim3A_5, %scan3A_401 = %broadcast_in_dim3A_5, %scan3A_402 = %broadcast_in_dim3A_5) -> (vector<16xf32>, vector<16xf32>, vector<16xf32>, vector<16xf32>, vector<16xf32>, vector<16xf32>, vector<16xf32>, vector<16xf32>)  : i32 {
      %mul3A_403 = arith.constant 4 : i32
      %mul3A_404 = arith.muli %scan3A_394, %mul3A_403 : i32
      %add3A_405 = arith.constant 0 : i32
      %add3A_406 = arith.addi %add3A_405, %mul3A_404 : i32
      %add3A_407 = arith.constant 0 : i32
      %add3A_408 = arith.addi %add3A_406, %add3A_407 : i32
      %mul3A_409 = arith.constant 16 : i32
      %mul3A_410 = arith.muli %add3A_408, %mul3A_409 : i32
      %get3A_411 = arith.constant 0 : i32
      %get3A_412 = arith.constant 0 : i32
      %get3A_413 = arith.index_cast %get3A_411 : i32 to index
      %get3A_414 = arith.index_cast %get3A_412 : i32 to index
      %get3A_415 = arith.index_cast %mul3A_410 : i32 to index
      %get3A_416 = tpu.vector_load %arg10[%get3A_413, %get3A_414, %get3A_415] {strides = array<i32>} : memref<2x4x8192xf32, #tpu.memory_space<vmem>>, vector<16xf32>,
      %min3A = arith.minimumf %scan3A_395, %get3A_416 : vector<16xf32>
      %max3A_417 = arith.maximumf %scan3A_396, %min3A : vector<16xf32>
      %max3A_418 = arith.maximumf %scan3A_395, %get3A_416 : vector<16xf32>
      %mul3A_419 = arith.constant 4 : i32
      %mul3A_420 = arith.muli %scan3A_394, %mul3A_419 : i32
      %add3A_421 = arith.constant 0 : i32
      %add3A_422 = arith.addi %add3A_421, %mul3A_420 : i32
      %add3A_423 = arith.constant 0 : i32
      %add3A_424 = arith.addi %add3A_422, %add3A_423 : i32
      %mul3A_425 = arith.constant 16 : i32
      %mul3A_426 = arith.muli %add3A_424, %mul3A_425 : i32
      %get3A_427 = arith.constant 0 : i32
      %get3A_428 = arith.constant 1 : i32
      %get3A_429 = arith.index_cast %get3A_427 : i32 to index
      %get3A_430 = arith.index_cast %get3A_428 : i32 to index
      %get3A_431 = arith.index_cast %mul3A_426 : i32 to index
      %get3A_432 = tpu.vector_load %arg10[%get3A_429, %get3A_430, %get3A_431] {strides = array<i32>} : memref<2x4x8192xf32, #tpu.memory_space<vmem>>, vector<16xf32>,
      %min3A_433 = arith.minimumf %scan3A_397, %get3A_432 : vector<16xf32>
      %max3A_434 = arith.maximumf %scan3A_398, %min3A_433 : vector<16xf32>
      %max3A_435 = arith.maximumf %scan3A_397, %get3A_432 : vector<16xf32>
      %mul3A_436 = arith.constant 4 : i32
      %mul3A_437 = arith.muli %scan3A_394, %mul3A_436 : i32
      %add3A_438 = arith.constant 0 : i32
      %add3A_439 = arith.addi %add3A_438, %mul3A_437 : i32
      %add3A_440 = arith.constant 0 : i32
      %add3A_441 = arith.addi %add3A_439, %add3A_440 : i32
      %mul3A_442 = arith.constant 16 : i32
      %mul3A_443 = arith.muli %add3A_441, %mul3A_442 : i32
      %get3A_444 = arith.constant 0 : i32
      %get3A_445 = arith.constant 2 : i32
      %get3A_446 = arith.index_cast %get3A_444 : i32 to index
      %get3A_447 = arith.index_cast %get3A_445 : i32 to index
      %get3A_448 = arith.index_cast %mul3A_443 : i32 to index
      %get3A_449 = tpu.vector_load %arg10[%get3A_446, %get3A_447, %get3A_448] {strides = array<i32>} : memref<2x4x8192xf32, #tpu.memory_space<vmem>>, vector<16xf32>,
      %min3A_450 = arith.minimumf %scan3A_399, %get3A_449 : vector<16xf32>
      %max3A_451 = arith.maximumf %scan3A_400, %min3A_450 : vector<16xf32>
      %max3A_452 = arith.maximumf %scan3A_399, %get3A_449 : vector<16xf32>
      %mul3A_453 = arith.constant 4 : i32
      %mul3A_454 = arith.muli %scan3A_394, %mul3A_453 : i32
      %add3A_455 = arith.constant 0 : i32
      %add3A_456 = arith.addi %add3A_455, %mul3A_454 : i32
      %add3A_457 = arith.constant 0 : i32
      %add3A_458 = arith.addi %add3A_456, %add3A_457 : i32
      %mul3A_459 = arith.constant 16 : i32
      %mul3A_460 = arith.muli %add3A_458, %mul3A_459 : i32
      %get3A_461 = arith.constant 0 : i32
      %get3A_462 = arith.constant 3 : i32
      %get3A_463 = arith.index_cast %get3A_461 : i32 to index
      %get3A_464 = arith.index_cast %get3A_462 : i32 to index
      %get3A_465 = arith.index_cast %mul3A_460 : i32 to index
      %get3A_466 = tpu.vector_load %arg10[%get3A_463, %get3A_464, %get3A_465] {strides = array<i32>} : memref<2x4x8192xf32, #tpu.memory_space<vmem>>, vector<16xf32>,
      %min3A_467 = arith.minimumf %scan3A_401, %get3A_466 : vector<16xf32>
      %max3A_468 = arith.maximumf %scan3A_402, %min3A_467 : vector<16xf32>
      %max3A_469 = arith.maximumf %scan3A_401, %get3A_466 : vector<16xf32>
      %mul3A_470 = arith.constant 4 : i32
      %mul3A_471 = arith.muli %scan3A_394, %mul3A_470 : i32
      %add3A_472 = arith.constant 0 : i32
      %add3A_473 = arith.addi %add3A_472, %mul3A_471 : i32
      %add3A_474 = arith.constant 1 : i32
      %add3A_475 = arith.addi %add3A_473, %add3A_474 : i32
      %mul3A_476 = arith.constant 16 : i32
      %mul3A_477 = arith.muli %add3A_475, %mul3A_476 : i32
      %get3A_478 = arith.constant 0 : i32
      %get3A_479 = arith.constant 0 : i32
      %get3A_480 = arith.index_cast %get3A_478 : i32 to index
      %get3A_481 = arith.index_cast %get3A_479 : i32 to index
      %get3A_482 = arith.index_cast %mul3A_477 : i32 to index
      %get3A_483 = tpu.vector_load %arg10[%get3A_480, %get3A_481, %get3A_482] {strides = array<i32>} : memref<2x4x8192xf32, #tpu.memory_space<vmem>>, vector<16xf32>,
      %min3A_484 = arith.minimumf %max3A_418, %get3A_483 : vector<16xf32>
      %max3A_485 = arith.maximumf %max3A_417, %min3A_484 : vector<16xf32>
      %max3A_486 = arith.maximumf %max3A_418, %get3A_483 : vector<16xf32>
      %mul3A_487 = arith.constant 4 : i32
      %mul3A_488 = arith.muli %scan3A_394, %mul3A_487 : i32
      %add3A_489 = arith.constant 0 : i32
      %add3A_490 = arith.addi %add3A_489, %mul3A_488 : i32
      %add3A_491 = arith.constant 1 : i32
      %add3A_492 = arith.addi %add3A_490, %add3A_491 : i32
      %mul3A_493 = arith.constant 16 : i32
      %mul3A_494 = arith.muli %add3A_492, %mul3A_493 : i32
      %get3A_495 = arith.constant 0 : i32
      %get3A_496 = arith.constant 1 : i32
      %get3A_497 = arith.index_cast %get3A_495 : i32 to index
      %get3A_498 = arith.index_cast %get3A_496 : i32 to index
      %get3A_499 = arith.index_cast %mul3A_494 : i32 to index
      %get3A_500 = tpu.vector_load %arg10[%get3A_497, %get3A_498, %get3A_499] {strides = array<i32>} : memref<2x4x8192xf32, #tpu.memory_space<vmem>>, vector<16xf32>,
      %min3A_501 = arith.minimumf %max3A_435, %get3A_500 : vector<16xf32>
      %max3A_502 = arith.maximumf %max3A_434, %min3A_501 : vector<16xf32>
      %max3A_503 = arith.maximumf %max3A_435, %get3A_500 : vector<16xf32>
      %mul3A_504 = arith.constant 4 : i32
      %mul3A_505 = arith.muli %scan3A_394, %mul3A_504 : i32
      %add3A_506 = arith.constant 0 : i32
      %add3A_507 = arith.addi %add3A_506, %mul3A_505 : i32
      %add3A_508 = arith.constant 1 : i32
      %add3A_509 = arith.addi %add3A_507, %add3A_508 : i32
      %mul3A_510 = arith.constant 16 : i32
      %mul3A_511 = arith.muli %add3A_509, %mul3A_510 : i32
      %get3A_512 = arith.constant 0 : i32
      %get3A_513 = arith.constant 2 : i32
      %get3A_514 = arith.index_cast %get3A_512 : i32 to index
      %get3A_515 = arith.index_cast %get3A_513 : i32 to index
      %get3A_516 = arith.index_cast %mul3A_511 : i32 to index
      %get3A_517 = tpu.vector_load %arg10[%get3A_514, %get3A_515, %get3A_516] {strides = array<i32>} : memref<2x4x8192xf32, #tpu.memory_space<vmem>>, vector<16xf32>,
      %min3A_518 = arith.minimumf %max3A_452, %get3A_517 : vector<16xf32>
      %max3A_519 = arith.maximumf %max3A_451, %min3A_518 : vector<16xf32>
      %max3A_520 = arith.maximumf %max3A_452, %get3A_517 : vector<16xf32>
      %mul3A_521 = arith.constant 4 : i32
      %mul3A_522 = arith.muli %scan3A_394, %mul3A_521 : i32
      %add3A_523 = arith.constant 0 : i32
      %add3A_524 = arith.addi %add3A_523, %mul3A_522 : i32
      %add3A_525 = arith.constant 1 : i32
      %add3A_526 = arith.addi %add3A_524, %add3A_525 : i32
      %mul3A_527 = arith.constant 16 : i32
      %mul3A_528 = arith.muli %add3A_526, %mul3A_527 : i32
      %get3A_529 = arith.constant 0 : i32
      %get3A_530 = arith.constant 3 : i32
      %get3A_531 = arith.index_cast %get3A_529 : i32 to index
      %get3A_532 = arith.index_cast %get3A_530 : i32 to index
      %get3A_533 = arith.index_cast %mul3A_528 : i32 to index
      %get3A_534 = tpu.vector_load %arg10[%get3A_531, %get3A_532, %get3A_533] {strides = array<i32>} : memref<2x4x8192xf32, #tpu.memory_space<vmem>>, vector<16xf32>,
      %min3A_535 = arith.minimumf %max3A_469, %get3A_534 : vector<16xf32>
      %max3A_536 = arith.maximumf %max3A_468, %min3A_535 : vector<16xf32>
      %max3A_537 = arith.maximumf %max3A_469, %get3A_534 : vector<16xf32>
      %mul3A_538 = arith.constant 4 : i32
      %mul3A_539 = arith.muli %scan3A_394, %mul3A_538 : i32
      %add3A_540 = arith.constant 0 : i32
      %add3A_541 = arith.addi %add3A_540, %mul3A_539 : i32
      %add3A_542 = arith.constant 2 : i32
      %add3A_543 = arith.addi %add3A_541, %add3A_542 : i32
      %mul3A_544 = arith.constant 16 : i32
      %mul3A_545 = arith.muli %add3A_543, %mul3A_544 : i32
      %get3A_546 = arith.constant 0 : i32
      %get3A_547 = arith.constant 0 : i32
      %get3A_548 = arith.index_cast %get3A_546 : i32 to index
      %get3A_549 = arith.index_cast %get3A_547 : i32 to index
      %get3A_550 = arith.index_cast %mul3A_545 : i32 to index
      %get3A_551 = tpu.vector_load %arg10[%get3A_548, %get3A_549, %get3A_550] {strides = array<i32>} : memref<2x4x8192xf32, #tpu.memory_space<vmem>>, vector<16xf32>,
      %min3A_552 = arith.minimumf %max3A_486, %get3A_551 : vector<16xf32>
      %max3A_553 = arith.maximumf %max3A_485, %min3A_552 : vector<16xf32>
      %max3A_554 = arith.maximumf %max3A_486, %get3A_551 : vector<16xf32>
      %mul3A_555 = arith.constant 4 : i32
      %mul3A_556 = arith.muli %scan3A_394, %mul3A_555 : i32
      %add3A_557 = arith.constant 0 : i32
      %add3A_558 = arith.addi %add3A_557, %mul3A_556 : i32
      %add3A_559 = arith.constant 2 : i32
      %add3A_560 = arith.addi %add3A_558, %add3A_559 : i32
      %mul3A_561 = arith.constant 16 : i32
      %mul3A_562 = arith.muli %add3A_560, %mul3A_561 : i32
      %get3A_563 = arith.constant 0 : i32
      %get3A_564 = arith.constant 1 : i32
      %get3A_565 = arith.index_cast %get3A_563 : i32 to index
      %get3A_566 = arith.index_cast %get3A_564 : i32 to index
      %get3A_567 = arith.index_cast %mul3A_562 : i32 to index
      %get3A_568 = tpu.vector_load %arg10[%get3A_565, %get3A_566, %get3A_567] {strides = array<i32>} : memref<2x4x8192xf32, #tpu.memory_space<vmem>>, vector<16xf32>,
      %min3A_569 = arith.minimumf %max3A_503, %get3A_568 : vector<16xf32>
      %max3A_570 = arith.maximumf %max3A_502, %min3A_569 : vector<16xf32>
      %max3A_571 = arith.maximumf %max3A_503, %get3A_568 : vector<16xf32>
      %mul3A_572 = arith.constant 4 : i32
      %mul3A_573 = arith.muli %scan3A_394, %mul3A_572 : i32
      %add3A_574 = arith.constant 0 : i32
      %add3A_575 = arith.addi %add3A_574, %mul3A_573 : i32
      %add3A_576 = arith.constant 2 : i32
      %add3A_577 = arith.addi %add3A_575, %add3A_576 : i32
      %mul3A_578 = arith.constant 16 : i32
      %mul3A_579 = arith.muli %add3A_577, %mul3A_578 : i32
      %get3A_580 = arith.constant 0 : i32
      %get3A_581 = arith.constant 2 : i32
      %get3A_582 = arith.index_cast %get3A_580 : i32 to index
      %get3A_583 = arith.index_cast %get3A_581 : i32 to index
      %get3A_584 = arith.index_cast %mul3A_579 : i32 to index
      %get3A_585 = tpu.vector_load %arg10[%get3A_582, %get3A_583, %get3A_584] {strides = array<i32>} : memref<2x4x8192xf32, #tpu.memory_space<vmem>>, vector<16xf32>,
      %min3A_586 = arith.minimumf %max3A_520, %get3A_585 : vector<16xf32>
      %max3A_587 = arith.maximumf %max3A_519, %min3A_586 : vector<16xf32>
      %max3A_588 = arith.maximumf %max3A_520, %get3A_585 : vector<16xf32>
      %mul3A_589 = arith.constant 4 : i32
      %mul3A_590 = arith.muli %scan3A_394, %mul3A_589 : i32
      %add3A_591 = arith.constant 0 : i32
      %add3A_592 = arith.addi %add3A_591, %mul3A_590 : i32
      %add3A_593 = arith.constant 2 : i32
      %add3A_594 = arith.addi %add3A_592, %add3A_593 : i32
      %mul3A_595 = arith.constant 16 : i32
      %mul3A_596 = arith.muli %add3A_594, %mul3A_595 : i32
      %get3A_597 = arith.constant 0 : i32
      %get3A_598 = arith.constant 3 : i32
      %get3A_599 = arith.index_cast %get3A_597 : i32 to index
      %get3A_600 = arith.index_cast %get3A_598 : i32 to index
      %get3A_601 = arith.index_cast %mul3A_596 : i32 to index
      %get3A_602 = tpu.vector_load %arg10[%get3A_599, %get3A_600, %get3A_601] {strides = array<i32>} : memref<2x4x8192xf32, #tpu.memory_space<vmem>>, vector<16xf32>,
      %min3A_603 = arith.minimumf %max3A_537, %get3A_602 : vector<16xf32>
      %max3A_604 = arith.maximumf %max3A_536, %min3A_603 : vector<16xf32>
      %max3A_605 = arith.maximumf %max3A_537, %get3A_602 : vector<16xf32>
      %mul3A_606 = arith.constant 4 : i32
      %mul3A_607 = arith.muli %scan3A_394, %mul3A_606 : i32
      %add3A_608 = arith.constant 0 : i32
      %add3A_609 = arith.addi %add3A_608, %mul3A_607 : i32
      %add3A_610 = arith.constant 3 : i32
      %add3A_611 = arith.addi %add3A_609, %add3A_610 : i32
      %mul3A_612 = arith.constant 16 : i32
      %mul3A_613 = arith.muli %add3A_611, %mul3A_612 : i32
      %get3A_614 = arith.constant 0 : i32
      %get3A_615 = arith.constant 0 : i32
      %get3A_616 = arith.index_cast %get3A_614 : i32 to index
      %get3A_617 = arith.index_cast %get3A_615 : i32 to index
      %get3A_618 = arith.index_cast %mul3A_613 : i32 to index
      %get3A_619 = tpu.vector_load %arg10[%get3A_616, %get3A_617, %get3A_618] {strides = array<i32>} : memref<2x4x8192xf32, #tpu.memory_space<vmem>>, vector<16xf32>,
      %min3A_620 = arith.minimumf %max3A_554, %get3A_619 : vector<16xf32>
      %max3A_621 = arith.maximumf %max3A_553, %min3A_620 : vector<16xf32>
      %max3A_622 = arith.maximumf %max3A_554, %get3A_619 : vector<16xf32>
      %mul3A_623 = arith.constant 4 : i32
      %mul3A_624 = arith.muli %scan3A_394, %mul3A_623 : i32
      %add3A_625 = arith.constant 0 : i32
      %add3A_626 = arith.addi %add3A_625, %mul3A_624 : i32
      %add3A_627 = arith.constant 3 : i32
      %add3A_628 = arith.addi %add3A_626, %add3A_627 : i32
      %mul3A_629 = arith.constant 16 : i32
      %mul3A_630 = arith.muli %add3A_628, %mul3A_629 : i32
      %get3A_631 = arith.constant 0 : i32
      %get3A_632 = arith.constant 1 : i32
      %get3A_633 = arith.index_cast %get3A_631 : i32 to index
      %get3A_634 = arith.index_cast %get3A_632 : i32 to index
      %get3A_635 = arith.index_cast %mul3A_630 : i32 to index
      %get3A_636 = tpu.vector_load %arg10[%get3A_633, %get3A_634, %get3A_635] {strides = array<i32>} : memref<2x4x8192xf32, #tpu.memory_space<vmem>>, vector<16xf32>,
      %min3A_637 = arith.minimumf %max3A_571, %get3A_636 : vector<16xf32>
      %max3A_638 = arith.maximumf %max3A_570, %min3A_637 : vector<16xf32>
      %max3A_639 = arith.maximumf %max3A_571, %get3A_636 : vector<16xf32>
      %mul3A_640 = arith.constant 4 : i32
      %mul3A_641 = arith.muli %scan3A_394, %mul3A_640 : i32
      %add3A_642 = arith.constant 0 : i32
      %add3A_643 = arith.addi %add3A_642, %mul3A_641 : i32
      %add3A_644 = arith.constant 3 : i32
      %add3A_645 = arith.addi %add3A_643, %add3A_644 : i32
      %mul3A_646 = arith.constant 16 : i32
      %mul3A_647 = arith.muli %add3A_645, %mul3A_646 : i32
      %get3A_648 = arith.constant 0 : i32
      %get3A_649 = arith.constant 2 : i32
      %get3A_650 = arith.index_cast %get3A_648 : i32 to index
      %get3A_651 = arith.index_cast %get3A_649 : i32 to index
      %get3A_652 = arith.index_cast %mul3A_647 : i32 to index
      %get3A_653 = tpu.vector_load %arg10[%get3A_650, %get3A_651, %get3A_652] {strides = array<i32>} : memref<2x4x8192xf32, #tpu.memory_space<vmem>>, vector<16xf32>,
      %min3A_654 = arith.minimumf %max3A_588, %get3A_653 : vector<16xf32>
      %max3A_655 = arith.maximumf %max3A_587, %min3A_654 : vector<16xf32>
      %max3A_656 = arith.maximumf %max3A_588, %get3A_653 : vector<16xf32>
      %mul3A_657 = arith.constant 4 : i32
      %mul3A_658 = arith.muli %scan3A_394, %mul3A_657 : i32
      %add3A_659 = arith.constant 0 : i32
      %add3A_660 = arith.addi %add3A_659, %mul3A_658 : i32
      %add3A_661 = arith.constant 3 : i32
      %add3A_662 = arith.addi %add3A_660, %add3A_661 : i32
      %mul3A_663 = arith.constant 16 : i32
      %mul3A_664 = arith.muli %add3A_662, %mul3A_663 : i32
      %get3A_665 = arith.constant 0 : i32
      %get3A_666 = arith.constant 3 : i32
      %get3A_667 = arith.index_cast %get3A_665 : i32 to index
      %get3A_668 = arith.index_cast %get3A_666 : i32 to index
      %get3A_669 = arith.index_cast %mul3A_664 : i32 to index
      %get3A_670 = tpu.vector_load %arg10[%get3A_667, %get3A_668, %get3A_669] {strides = array<i32>} : memref<2x4x8192xf32, #tpu.memory_space<vmem>>, vector<16xf32>,
      %min3A_671 = arith.minimumf %max3A_605, %get3A_670 : vector<16xf32>
      %max3A_672 = arith.maximumf %max3A_604, %min3A_671 : vector<16xf32>
      %max3A_673 = arith.maximumf %max3A_605, %get3A_670 : vector<16xf32>
      scf.yield %max3A_622, %max3A_621, %max3A_639, %max3A_638, %max3A_656, %max3A_655, %max3A_673, %max3A_672 : vector<16xf32>, vector<16xf32>, vector<16xf32>, vector<16xf32>, vector<16xf32>, vector<16xf32>, vector<16xf32>, vector<16xf32>
    }
    %scan3A_75 = arith.constant 64 : i32
    %dma_wait3A_76 = arith.constant 0 : i32
    %dma_wait3A_77 = arith.constant 0 : i32
    %dma_wait3A_78 = arith.constant 4096 : i32
    %dma_wait3A_79 = tpu.memref_slice %arg10[%dma_wait3A_76, %dma_wait3A_77, %dma_wait3A_78] : memref<2x4x8192xf32, #tpu.memory_space<vmem>> -> memref<1x4x4096xf32, #tpu.memory_space<vmem>>
    %dma_wait3A_80 = tpu.memref_squeeze %dma_wait3A_79 : memref<1x4x4096xf32, #tpu.memory_space<vmem>> -> memref<4x4096xf32, #tpu.memory_space<vmem>>
    %dma_wait3A_81 = arith.constant 4096 : i32
    %dma_wait3A_82 = tpu.memref_slice %arg2[%mul3A_2, %dma_wait3A_81] : memref<128x8192xf32, #tpu.memory_space<hbm>> -> memref<4x4096xf32, #tpu.memory_space<hbm>>
    %dma_wait3A_83 = arith.constant 0 : i32
    %dma_wait3A_84 = arith.constant 4096 : i32
    %dma_wait3A_85 = tpu.memref_slice %arg10[%dma_wait3A_76, %dma_wait3A_83, %dma_wait3A_84] : memref<2x4x8192xf32, #tpu.memory_space<vmem>> -> memref<1x4x4096xf32, #tpu.memory_space<vmem>>
    %dma_wait3A_86 = tpu.memref_squeeze %dma_wait3A_85 : memref<1x4x4096xf32, #tpu.memory_space<vmem>> -> memref<4x4096xf32, #tpu.memory_space<vmem>>
    %dma_wait3A_87 = arith.constant 4096 : i32
    %dma_wait3A_88 = tpu.memref_slice %arg2[%mul3A_2, %dma_wait3A_87] : memref<128x8192xf32, #tpu.memory_space<hbm>> -> memref<4x4096xf32, #tpu.memory_space<hbm>>
    tpu.wait_dma2 semaphore(%arg15 : memref<!tpu.dma_semaphore, #tpu.memory_space<semaphore_mem>>) src(%dma_wait3A_88 : memref<4x4096xf32, #tpu.memory_space<hbm>>) dst(%dma_wait3A_86 : memref<4x4096xf32, #tpu.memory_space<vmem>>)
    %scan3A_89 = arith.constant 0 : i32
    %scan3A_90 = arith.constant 64 : i32
    %scan3A_91 = arith.addi %scan3A_89, %scan3A_90 : i32
    %scan3A_92 = arith.constant 1 : i32
    %scan3A_93:8 = scf.for %scan3A_394 = %scan3A_89 to %scan3A_91 step %scan3A_92 iter_args(%scan3A_395 = %scan3A_74#0, %scan3A_396 = %scan3A_74#1, %scan3A_397 = %scan3A_74#2, %scan3A_398 = %scan3A_74#3, %scan3A_399 = %scan3A_74#4, %scan3A_400 = %scan3A_74#5, %scan3A_401 = %scan3A_74#6, %scan3A_402 = %scan3A_74#7) -> (vector<16xf32>, vector<16xf32>, vector<16xf32>, vector<16xf32>, vector<16xf32>, vector<16xf32>, vector<16xf32>, vector<16xf32>)  : i32 {
      %mul3A_403 = arith.constant 4 : i32
      %mul3A_404 = arith.muli %scan3A_394, %mul3A_403 : i32
      %add3A_405 = arith.constant 256 : i32
      %add3A_406 = arith.addi %add3A_405, %mul3A_404 : i32
      %add3A_407 = arith.constant 0 : i32
      %add3A_408 = arith.addi %add3A_406, %add3A_407 : i32
      %mul3A_409 = arith.constant 16 : i32
      %mul3A_410 = arith.muli %add3A_408, %mul3A_409 : i32
      %get3A_411 = arith.constant 0 : i32
      %get3A_412 = arith.constant 0 : i32
      %get3A_413 = arith.index_cast %get3A_411 : i32 to index
      %get3A_414 = arith.index_cast %get3A_412 : i32 to index
      %get3A_415 = arith.index_cast %mul3A_410 : i32 to index
      %get3A_416 = tpu.vector_load %arg10[%get3A_413, %get3A_414, %get3A_415] {strides = array<i32>} : memref<2x4x8192xf32, #tpu.memory_space<vmem>>, vector<16xf32>,
      %min3A = arith.minimumf %scan3A_395, %get3A_416 : vector<16xf32>
      %max3A_417 = arith.maximumf %scan3A_396, %min3A : vector<16xf32>
      %max3A_418 = arith.maximumf %scan3A_395, %get3A_416 : vector<16xf32>
      %mul3A_419 = arith.constant 4 : i32
      %mul3A_420 = arith.muli %scan3A_394, %mul3A_419 : i32
      %add3A_421 = arith.constant 256 : i32
      %add3A_422 = arith.addi %add3A_421, %mul3A_420 : i32
      %add3A_423 = arith.constant 0 : i32
      %add3A_424 = arith.addi %add3A_422, %add3A_423 : i32
      %mul3A_425 = arith.constant 16 : i32
      %mul3A_426 = arith.muli %add3A_424, %mul3A_425 : i32
      %get3A_427 = arith.constant 0 : i32
      %get3A_428 = arith.constant 1 : i32
      %get3A_429 = arith.index_cast %get3A_427 : i32 to index
      %get3A_430 = arith.index_cast %get3A_428 : i32 to index
      %get3A_431 = arith.index_cast %mul3A_426 : i32 to index
      %get3A_432 = tpu.vector_load %arg10[%get3A_429, %get3A_430, %get3A_431] {strides = array<i32>} : memref<2x4x8192xf32, #tpu.memory_space<vmem>>, vector<16xf32>,
      %min3A_433 = arith.minimumf %scan3A_397, %get3A_432 : vector<16xf32>
      %max3A_434 = arith.maximumf %scan3A_398, %min3A_433 : vector<16xf32>
      %max3A_435 = arith.maximumf %scan3A_397, %get3A_432 : vector<16xf32>
      %mul3A_436 = arith.constant 4 : i32
      %mul3A_437 = arith.muli %scan3A_394, %mul3A_436 : i32
      %add3A_438 = arith.constant 256 : i32
      %add3A_439 = arith.addi %add3A_438, %mul3A_437 : i32
      %add3A_440 = arith.constant 0 : i32
      %add3A_441 = arith.addi %add3A_439, %add3A_440 : i32
      %mul3A_442 = arith.constant 16 : i32
      %mul3A_443 = arith.muli %add3A_441, %mul3A_442 : i32
      %get3A_444 = arith.constant 0 : i32
      %get3A_445 = arith.constant 2 : i32
      %get3A_446 = arith.index_cast %get3A_444 : i32 to index
      %get3A_447 = arith.index_cast %get3A_445 : i32 to index
      %get3A_448 = arith.index_cast %mul3A_443 : i32 to index
      %get3A_449 = tpu.vector_load %arg10[%get3A_446, %get3A_447, %get3A_448] {strides = array<i32>} : memref<2x4x8192xf32, #tpu.memory_space<vmem>>, vector<16xf32>,
      %min3A_450 = arith.minimumf %scan3A_399, %get3A_449 : vector<16xf32>
      %max3A_451 = arith.maximumf %scan3A_400, %min3A_450 : vector<16xf32>
      %max3A_452 = arith.maximumf %scan3A_399, %get3A_449 : vector<16xf32>
      %mul3A_453 = arith.constant 4 : i32
      %mul3A_454 = arith.muli %scan3A_394, %mul3A_453 : i32
      %add3A_455 = arith.constant 256 : i32
      %add3A_456 = arith.addi %add3A_455, %mul3A_454 : i32
      %add3A_457 = arith.constant 0 : i32
      %add3A_458 = arith.addi %add3A_456, %add3A_457 : i32
      %mul3A_459 = arith.constant 16 : i32
      %mul3A_460 = arith.muli %add3A_458, %mul3A_459 : i32
      %get3A_461 = arith.constant 0 : i32
      %get3A_462 = arith.constant 3 : i32
      %get3A_463 = arith.index_cast %get3A_461 : i32 to index
      %get3A_464 = arith.index_cast %get3A_462 : i32 to index
      %get3A_465 = arith.index_cast %mul3A_460 : i32 to index
      %get3A_466 = tpu.vector_load %arg10[%get3A_463, %get3A_464, %get3A_465] {strides = array<i32>} : memref<2x4x8192xf32, #tpu.memory_space<vmem>>, vector<16xf32>,
      %min3A_467 = arith.minimumf %scan3A_401, %get3A_466 : vector<16xf32>
      %max3A_468 = arith.maximumf %scan3A_402, %min3A_467 : vector<16xf32>
      %max3A_469 = arith.maximumf %scan3A_401, %get3A_466 : vector<16xf32>
      %mul3A_470 = arith.constant 4 : i32
      %mul3A_471 = arith.muli %scan3A_394, %mul3A_470 : i32
      %add3A_472 = arith.constant 256 : i32
      %add3A_473 = arith.addi %add3A_472, %mul3A_471 : i32
      %add3A_474 = arith.constant 1 : i32
      %add3A_475 = arith.addi %add3A_473, %add3A_474 : i32
      %mul3A_476 = arith.constant 16 : i32
      %mul3A_477 = arith.muli %add3A_475, %mul3A_476 : i32
      %get3A_478 = arith.constant 0 : i32
      %get3A_479 = arith.constant 0 : i32
      %get3A_480 = arith.index_cast %get3A_478 : i32 to index
      %get3A_481 = arith.index_cast %get3A_479 : i32 to index
      %get3A_482 = arith.index_cast %mul3A_477 : i32 to index
      %get3A_483 = tpu.vector_load %arg10[%get3A_480, %get3A_481, %get3A_482] {strides = array<i32>} : memref<2x4x8192xf32, #tpu.memory_space<vmem>>, vector<16xf32>,
      %min3A_484 = arith.minimumf %max3A_418, %get3A_483 : vector<16xf32>
      %max3A_485 = arith.maximumf %max3A_417, %min3A_484 : vector<16xf32>
      %max3A_486 = arith.maximumf %max3A_418, %get3A_483 : vector<16xf32>
      %mul3A_487 = arith.constant 4 : i32
      %mul3A_488 = arith.muli %scan3A_394, %mul3A_487 : i32
      %add3A_489 = arith.constant 256 : i32
      %add3A_490 = arith.addi %add3A_489, %mul3A_488 : i32
      %add3A_491 = arith.constant 1 : i32
      %add3A_492 = arith.addi %add3A_490, %add3A_491 : i32
      %mul3A_493 = arith.constant 16 : i32
      %mul3A_494 = arith.muli %add3A_492, %mul3A_493 : i32
      %get3A_495 = arith.constant 0 : i32
      %get3A_496 = arith.constant 1 : i32
      %get3A_497 = arith.index_cast %get3A_495 : i32 to index
      %get3A_498 = arith.index_cast %get3A_496 : i32 to index
      %get3A_499 = arith.index_cast %mul3A_494 : i32 to index
      %get3A_500 = tpu.vector_load %arg10[%get3A_497, %get3A_498, %get3A_499] {strides = array<i32>} : memref<2x4x8192xf32, #tpu.memory_space<vmem>>, vector<16xf32>,
      %min3A_501 = arith.minimumf %max3A_435, %get3A_500 : vector<16xf32>
      %max3A_502 = arith.maximumf %max3A_434, %min3A_501 : vector<16xf32>
      %max3A_503 = arith.maximumf %max3A_435, %get3A_500 : vector<16xf32>
      %mul3A_504 = arith.constant 4 : i32
      %mul3A_505 = arith.muli %scan3A_394, %mul3A_504 : i32
      %add3A_506 = arith.constant 256 : i32
      %add3A_507 = arith.addi %add3A_506, %mul3A_505 : i32
      %add3A_508 = arith.constant 1 : i32
      %add3A_509 = arith.addi %add3A_507, %add3A_508 : i32
      %mul3A_510 = arith.constant 16 : i32
      %mul3A_511 = arith.muli %add3A_509, %mul3A_510 : i32
      %get3A_512 = arith.constant 0 : i32
      %get3A_513 = arith.constant 2 : i32
      %get3A_514 = arith.index_cast %get3A_512 : i32 to index
      %get3A_515 = arith.index_cast %get3A_513 : i32 to index
      %get3A_516 = arith.index_cast %mul3A_511 : i32 to index
      %get3A_517 = tpu.vector_load %arg10[%get3A_514, %get3A_515, %get3A_516] {strides = array<i32>} : memref<2x4x8192xf32, #tpu.memory_space<vmem>>, vector<16xf32>,
      %min3A_518 = arith.minimumf %max3A_452, %get3A_517 : vector<16xf32>
      %max3A_519 = arith.maximumf %max3A_451, %min3A_518 : vector<16xf32>
      %max3A_520 = arith.maximumf %max3A_452, %get3A_517 : vector<16xf32>
      %mul3A_521 = arith.constant 4 : i32
      %mul3A_522 = arith.muli %scan3A_394, %mul3A_521 : i32
      %add3A_523 = arith.constant 256 : i32
      %add3A_524 = arith.addi %add3A_523, %mul3A_522 : i32
      %add3A_525 = arith.constant 1 : i32
      %add3A_526 = arith.addi %add3A_524, %add3A_525 : i32
      %mul3A_527 = arith.constant 16 : i32
      %mul3A_528 = arith.muli %add3A_526, %mul3A_527 : i32
      %get3A_529 = arith.constant 0 : i32
      %get3A_530 = arith.constant 3 : i32
      %get3A_531 = arith.index_cast %get3A_529 : i32 to index
      %get3A_532 = arith.index_cast %get3A_530 : i32 to index
      %get3A_533 = arith.index_cast %mul3A_528 : i32 to index
      %get3A_534 = tpu.vector_load %arg10[%get3A_531, %get3A_532, %get3A_533] {strides = array<i32>} : memref<2x4x8192xf32, #tpu.memory_space<vmem>>, vector<16xf32>,
      %min3A_535 = arith.minimumf %max3A_469, %get3A_534 : vector<16xf32>
      %max3A_536 = arith.maximumf %max3A_468, %min3A_535 : vector<16xf32>
      %max3A_537 = arith.maximumf %max3A_469, %get3A_534 : vector<16xf32>
      %mul3A_538 = arith.constant 4 : i32
      %mul3A_539 = arith.muli %scan3A_394, %mul3A_538 : i32
      %add3A_540 = arith.constant 256 : i32
      %add3A_541 = arith.addi %add3A_540, %mul3A_539 : i32
      %add3A_542 = arith.constant 2 : i32
      %add3A_543 = arith.addi %add3A_541, %add3A_542 : i32
      %mul3A_544 = arith.constant 16 : i32
      %mul3A_545 = arith.muli %add3A_543, %mul3A_544 : i32
      %get3A_546 = arith.constant 0 : i32
      %get3A_547 = arith.constant 0 : i32
      %get3A_548 = arith.index_cast %get3A_546 : i32 to index
      %get3A_549 = arith.index_cast %get3A_547 : i32 to index
      %get3A_550 = arith.index_cast %mul3A_545 : i32 to index
      %get3A_551 = tpu.vector_load %arg10[%get3A_548, %get3A_549, %get3A_550] {strides = array<i32>} : memref<2x4x8192xf32, #tpu.memory_space<vmem>>, vector<16xf32>,
      %min3A_552 = arith.minimumf %max3A_486, %get3A_551 : vector<16xf32>
      %max3A_553 = arith.maximumf %max3A_485, %min3A_552 : vector<16xf32>
      %max3A_554 = arith.maximumf %max3A_486, %get3A_551 : vector<16xf32>
      %mul3A_555 = arith.constant 4 : i32
      %mul3A_556 = arith.muli %scan3A_394, %mul3A_555 : i32
      %add3A_557 = arith.constant 256 : i32
      %add3A_558 = arith.addi %add3A_557, %mul3A_556 : i32
      %add3A_559 = arith.constant 2 : i32
      %add3A_560 = arith.addi %add3A_558, %add3A_559 : i32
      %mul3A_561 = arith.constant 16 : i32
      %mul3A_562 = arith.muli %add3A_560, %mul3A_561 : i32
      %get3A_563 = arith.constant 0 : i32
      %get3A_564 = arith.constant 1 : i32
      %get3A_565 = arith.index_cast %get3A_563 : i32 to index
      %get3A_566 = arith.index_cast %get3A_564 : i32 to index
      %get3A_567 = arith.index_cast %mul3A_562 : i32 to index
      %get3A_568 = tpu.vector_load %arg10[%get3A_565, %get3A_566, %get3A_567] {strides = array<i32>} : memref<2x4x8192xf32, #tpu.memory_space<vmem>>, vector<16xf32>,
      %min3A_569 = arith.minimumf %max3A_503, %get3A_568 : vector<16xf32>
      %max3A_570 = arith.maximumf %max3A_502, %min3A_569 : vector<16xf32>
      %max3A_571 = arith.maximumf %max3A_503, %get3A_568 : vector<16xf32>
      %mul3A_572 = arith.constant 4 : i32
      %mul3A_573 = arith.muli %scan3A_394, %mul3A_572 : i32
      %add3A_574 = arith.constant 256 : i32
      %add3A_575 = arith.addi %add3A_574, %mul3A_573 : i32
      %add3A_576 = arith.constant 2 : i32
      %add3A_577 = arith.addi %add3A_575, %add3A_576 : i32
      %mul3A_578 = arith.constant 16 : i32
      %mul3A_579 = arith.muli %add3A_577, %mul3A_578 : i32
      %get3A_580 = arith.constant 0 : i32
      %get3A_581 = arith.constant 2 : i32
      %get3A_582 = arith.index_cast %get3A_580 : i32 to index
      %get3A_583 = arith.index_cast %get3A_581 : i32 to index
      %get3A_584 = arith.index_cast %mul3A_579 : i32 to index
      %get3A_585 = tpu.vector_load %arg10[%get3A_582, %get3A_583, %get3A_584] {strides = array<i32>} : memref<2x4x8192xf32, #tpu.memory_space<vmem>>, vector<16xf32>,
      %min3A_586 = arith.minimumf %max3A_520, %get3A_585 : vector<16xf32>
      %max3A_587 = arith.maximumf %max3A_519, %min3A_586 : vector<16xf32>
      %max3A_588 = arith.maximumf %max3A_520, %get3A_585 : vector<16xf32>
      %mul3A_589 = arith.constant 4 : i32
      %mul3A_590 = arith.muli %scan3A_394, %mul3A_589 : i32
      %add3A_591 = arith.constant 256 : i32
      %add3A_592 = arith.addi %add3A_591, %mul3A_590 : i32
      %add3A_593 = arith.constant 2 : i32
      %add3A_594 = arith.addi %add3A_592, %add3A_593 : i32
      %mul3A_595 = arith.constant 16 : i32
      %mul3A_596 = arith.muli %add3A_594, %mul3A_595 : i32
      %get3A_597 = arith.constant 0 : i32
      %get3A_598 = arith.constant 3 : i32
      %get3A_599 = arith.index_cast %get3A_597 : i32 to index
      %get3A_600 = arith.index_cast %get3A_598 : i32 to index
      %get3A_601 = arith.index_cast %mul3A_596 : i32 to index
      %get3A_602 = tpu.vector_load %arg10[%get3A_599, %get3A_600, %get3A_601] {strides = array<i32>} : memref<2x4x8192xf32, #tpu.memory_space<vmem>>, vector<16xf32>,
      %min3A_603 = arith.minimumf %max3A_537, %get3A_602 : vector<16xf32>
      %max3A_604 = arith.maximumf %max3A_536, %min3A_603 : vector<16xf32>
      %max3A_605 = arith.maximumf %max3A_537, %get3A_602 : vector<16xf32>
      %mul3A_606 = arith.constant 4 : i32
      %mul3A_607 = arith.muli %scan3A_394, %mul3A_606 : i32
      %add3A_608 = arith.constant 256 : i32
      %add3A_609 = arith.addi %add3A_608, %mul3A_607 : i32
      %add3A_610 = arith.constant 3 : i32
      %add3A_611 = arith.addi %add3A_609, %add3A_610 : i32
      %mul3A_612 = arith.constant 16 : i32
      %mul3A_613 = arith.muli %add3A_611, %mul3A_612 : i32
      %get3A_614 = arith.constant 0 : i32
      %get3A_615 = arith.constant 0 : i32
      %get3A_616 = arith.index_cast %get3A_614 : i32 to index
      %get3A_617 = arith.index_cast %get3A_615 : i32 to index
      %get3A_618 = arith.index_cast %mul3A_613 : i32 to index
      %get3A_619 = tpu.vector_load %arg10[%get3A_616, %get3A_617, %get3A_618] {strides = array<i32>} : memref<2x4x8192xf32, #tpu.memory_space<vmem>>, vector<16xf32>,
      %min3A_620 = arith.minimumf %max3A_554, %get3A_619 : vector<16xf32>
      %max3A_621 = arith.maximumf %max3A_553, %min3A_620 : vector<16xf32>
      %max3A_622 = arith.maximumf %max3A_554, %get3A_619 : vector<16xf32>
      %mul3A_623 = arith.constant 4 : i32
      %mul3A_624 = arith.muli %scan3A_394, %mul3A_623 : i32
      %add3A_625 = arith.constant 256 : i32
      %add3A_626 = arith.addi %add3A_625, %mul3A_624 : i32
      %add3A_627 = arith.constant 3 : i32
      %add3A_628 = arith.addi %add3A_626, %add3A_627 : i32
      %mul3A_629 = arith.constant 16 : i32
      %mul3A_630 = arith.muli %add3A_628, %mul3A_629 : i32
      %get3A_631 = arith.constant 0 : i32
      %get3A_632 = arith.constant 1 : i32
      %get3A_633 = arith.index_cast %get3A_631 : i32 to index
      %get3A_634 = arith.index_cast %get3A_632 : i32 to index
      %get3A_635 = arith.index_cast %mul3A_630 : i32 to index
      %get3A_636 = tpu.vector_load %arg10[%get3A_633, %get3A_634, %get3A_635] {strides = array<i32>} : memref<2x4x8192xf32, #tpu.memory_space<vmem>>, vector<16xf32>,
      %min3A_637 = arith.minimumf %max3A_571, %get3A_636 : vector<16xf32>
      %max3A_638 = arith.maximumf %max3A_570, %min3A_637 : vector<16xf32>
      %max3A_639 = arith.maximumf %max3A_571, %get3A_636 : vector<16xf32>
      %mul3A_640 = arith.constant 4 : i32
      %mul3A_641 = arith.muli %scan3A_394, %mul3A_640 : i32
      %add3A_642 = arith.constant 256 : i32
      %add3A_643 = arith.addi %add3A_642, %mul3A_641 : i32
      %add3A_644 = arith.constant 3 : i32
      %add3A_645 = arith.addi %add3A_643, %add3A_644 : i32
      %mul3A_646 = arith.constant 16 : i32
      %mul3A_647 = arith.muli %add3A_645, %mul3A_646 : i32
      %get3A_648 = arith.constant 0 : i32
      %get3A_649 = arith.constant 2 : i32
      %get3A_650 = arith.index_cast %get3A_648 : i32 to index
      %get3A_651 = arith.index_cast %get3A_649 : i32 to index
      %get3A_652 = arith.index_cast %mul3A_647 : i32 to index
      %get3A_653 = tpu.vector_load %arg10[%get3A_650, %get3A_651, %get3A_652] {strides = array<i32>} : memref<2x4x8192xf32, #tpu.memory_space<vmem>>, vector<16xf32>,
      %min3A_654 = arith.minimumf %max3A_588, %get3A_653 : vector<16xf32>
      %max3A_655 = arith.maximumf %max3A_587, %min3A_654 : vector<16xf32>
      %max3A_656 = arith.maximumf %max3A_588, %get3A_653 : vector<16xf32>
      %mul3A_657 = arith.constant 4 : i32
      %mul3A_658 = arith.muli %scan3A_394, %mul3A_657 : i32
      %add3A_659 = arith.constant 256 : i32
      %add3A_660 = arith.addi %add3A_659, %mul3A_658 : i32
      %add3A_661 = arith.constant 3 : i32
      %add3A_662 = arith.addi %add3A_660, %add3A_661 : i32
      %mul3A_663 = arith.constant 16 : i32
      %mul3A_664 = arith.muli %add3A_662, %mul3A_663 : i32
      %get3A_665 = arith.constant 0 : i32
      %get3A_666 = arith.constant 3 : i32
      %get3A_667 = arith.index_cast %get3A_665 : i32 to index
      %get3A_668 = arith.index_cast %get3A_666 : i32 to index
      %get3A_669 = arith.index_cast %mul3A_664 : i32 to index
      %get3A_670 = tpu.vector_load %arg10[%get3A_667, %get3A_668, %get3A_669] {strides = array<i32>} : memref<2x4x8192xf32, #tpu.memory_space<vmem>>, vector<16xf32>,
      %min3A_671 = arith.minimumf %max3A_605, %get3A_670 : vector<16xf32>
      %max3A_672 = arith.maximumf %max3A_604, %min3A_671 : vector<16xf32>
      %max3A_673 = arith.maximumf %max3A_605, %get3A_670 : vector<16xf32>
      scf.yield %max3A_622, %max3A_621, %max3A_639, %max3A_638, %max3A_656, %max3A_655, %max3A_673, %max3A_672 : vector<16xf32>, vector<16xf32>, vector<16xf32>, vector<16xf32>, vector<16xf32>, vector<16xf32>, vector<16xf32>, vector<16xf32>
    }
    %scan3A_94 = arith.constant 64 : i32
    %reduce_max3A = arith.constant true
    %reduce_max3A_95 = vector.broadcast %reduce_max3A : i1 to vector<16xi1>
    %reduce_max3A_96 = tpu.scan <max>, %scan3A_93#0 masked %reduce_max3A_95 : vector<16xf32>, vector<16xi1> -> vector<16xf32>
    %reduce_max3A_97 = vector.extract %reduce_max3A_96[15] : f32 from vector<16xf32>
    %broadcast_in_dim3A_98 = vector.broadcast %reduce_max3A_97 : f32 to vector<16xf32>
    %eq3A = arith.cmpf oeq, %scan3A_93#0, %broadcast_in_dim3A_98 : vector<16xf32>
    %all_reduce_ffs3A = tpu.all_reduce %eq3A {dim = 0 : i64, kind = #tpu.reduction_kind<find_first_set>} : vector<16xi1> -> vector<16xi32>
    %eq3A_99 = arith.cmpi eq, %iota3A, %all_reduce_ffs3A : vector<16xi32>
    %select_n3A = arith.select %eq3A_99, %scan3A_93#1, %scan3A_93#0 : vector<16xi1>, vector<16xf32>
    %reduce_max3A_100 = arith.constant true
    %reduce_max3A_101 = vector.broadcast %reduce_max3A_100 : i1 to vector<16xi1>
    %reduce_max3A_102 = tpu.scan <max>, %select_n3A masked %reduce_max3A_101 : vector<16xf32>, vector<16xi1> -> vector<16xf32>
    %reduce_max3A_103 = vector.extract %reduce_max3A_102[15] : f32 from vector<16xf32>
    %add3A_104 = arith.constant 0 : i32
    %add3A_105 = arith.addi %mul3A_2, %add3A_104 : i32
    %broadcast_in_dim3A_106 = vector.broadcast %add3A_105 : i32 to vector<16xi32>
    %gather3A = tpu.vector_load_idx %arg11[%broadcast_in_dim3A_106] : memref<128xi32, #tpu.memory_space<vmem>>[vector<16xi32>], vector<16xi32>,
    %broadcast_in_dim3A_107 = arith.constant 0 : i32
    %broadcast_in_dim3A_108 = vector.broadcast %broadcast_in_dim3A_107 : i32 to vector<16xi32>
    %broadcast_in_dim3A_109 = arith.constant 0 : i32
    %broadcast_in_dim3A_110 = vector.broadcast %broadcast_in_dim3A_109 : i32 to vector<16xi32>
    %gather3A_111 = tpu.vector_load_idx %arg10[%broadcast_in_dim3A_108, %broadcast_in_dim3A_110, %gather3A] : memref<2x4x8192xf32, #tpu.memory_space<vmem>>[vector<16xi32>, vector<16xi32>, vector<16xi32>], vector<16xf32>,
    %reduce_max3A_112 = arith.constant true
    %reduce_max3A_113 = vector.broadcast %reduce_max3A_112 : i1 to vector<16xi1>
    %reduce_max3A_114 = tpu.scan <max>, %gather3A_111 masked %reduce_max3A_113 : vector<16xf32>, vector<16xi1> -> vector<16xf32>
    %reduce_max3A_115 = vector.extract %reduce_max3A_114[15] : f32 from vector<16xf32>
    %eq3A_116 = arith.cmpf oeq, %reduce_max3A_115, %reduce_max3A_97 : f32
    %sub3A = arith.subf %reduce_max3A_97, %reduce_max3A_103 : f32
    %jit3A = arith.constant 0.000000e+00 : f32
    %select_n3A_117 = arith.select %eq3A_116, %sub3A, %jit3A : f32
    %eq3A_118 = arith.constant 0 : i32
    %eq3A_119 = vector.broadcast %eq3A_118 : i32 to vector<16xi32>
    %eq3A_120 = arith.cmpi eq, %iota3A, %eq3A_119 : vector<16xi32>
    %get3A = arith.constant 0 : i32
    %get3A_121 = arith.index_cast %get3A : i32 to index
    %get3A_122 = arith.constant 0 : index
    %get3A_123 = tpu.vector_load %arg12[%get3A_121, %get3A_122] {strides = array<i32>} : memref<4x16xf32, #tpu.memory_space<vmem>>, vector<16xf32>,
    %broadcast_in_dim3A_124 = vector.broadcast %select_n3A_117 : f32 to vector<16xf32>
    %select_n3A_125 = arith.select %eq3A_120, %broadcast_in_dim3A_124, %get3A_123 : vector<16xi1>, vector<16xf32>
    %swap3A_126 = arith.constant 0 : i32
    %swap3A_127 = arith.index_cast %swap3A_126 : i32 to index
    %swap3A_128 = arith.constant 0 : index
    %swap3A_129 = tpu.vector_load %arg12[%swap3A_127, %swap3A_128] {strides = array<i32>} : memref<4x16xf32, #tpu.memory_space<vmem>>, vector<16xf32>,
    tpu.vector_store %arg12[%swap3A_127, %swap3A_128], %select_n3A_125 {strides = array<i32>} : memref<4x16xf32, #tpu.memory_space<vmem>>, vector<16xf32>,
    %lt3A = arith.constant 0 : i32
    %lt3A_130 = arith.constant 4 : i32
    %lt3A_131 = arith.cmpi slt, %lt3A, %lt3A_130 : i32
    %max3A = arith.constant 0xFF800000 : f32
    %max3A_132 = arith.maximumf %max3A, %reduce_max3A_97 : f32
    %jit3A_133 = arith.constant 0xFF800000 : f32
    %select_n3A_134 = arith.select %lt3A_131, %max3A_132, %jit3A_133 : f32
    %reduce_max3A_135 = arith.constant true
    %reduce_max3A_136 = vector.broadcast %reduce_max3A_135 : i1 to vector<16xi1>
    %reduce_max3A_137 = tpu.scan <max>, %scan3A_93#2 masked %reduce_max3A_136 : vector<16xf32>, vector<16xi1> -> vector<16xf32>
    %reduce_max3A_138 = vector.extract %reduce_max3A_137[15] : f32 from vector<16xf32>
    %broadcast_in_dim3A_139 = vector.broadcast %reduce_max3A_138 : f32 to vector<16xf32>
    %eq3A_140 = arith.cmpf oeq, %scan3A_93#2, %broadcast_in_dim3A_139 : vector<16xf32>
    %all_reduce_ffs3A_141 = tpu.all_reduce %eq3A_140 {dim = 0 : i64, kind = #tpu.reduction_kind<find_first_set>} : vector<16xi1> -> vector<16xi32>
    %eq3A_142 = arith.cmpi eq, %iota3A, %all_reduce_ffs3A_141 : vector<16xi32>
    %select_n3A_143 = arith.select %eq3A_142, %scan3A_93#3, %scan3A_93#2 : vector<16xi1>, vector<16xf32>
    %reduce_max3A_144 = arith.constant true
    %reduce_max3A_145 = vector.broadcast %reduce_max3A_144 : i1 to vector<16xi1>
    %reduce_max3A_146 = tpu.scan <max>, %select_n3A_143 masked %reduce_max3A_145 : vector<16xf32>, vector<16xi1> -> vector<16xf32>
    %reduce_max3A_147 = vector.extract %reduce_max3A_146[15] : f32 from vector<16xf32>
    %add3A_148 = arith.constant 1 : i32
    %add3A_149 = arith.addi %mul3A_2, %add3A_148 : i32
    %broadcast_in_dim3A_150 = vector.broadcast %add3A_149 : i32 to vector<16xi32>
    %gather3A_151 = tpu.vector_load_idx %arg11[%broadcast_in_dim3A_150] : memref<128xi32, #tpu.memory_space<vmem>>[vector<16xi32>], vector<16xi32>,
    %broadcast_in_dim3A_152 = arith.constant 0 : i32
    %broadcast_in_dim3A_153 = vector.broadcast %broadcast_in_dim3A_152 : i32 to vector<16xi32>
    %broadcast_in_dim3A_154 = arith.constant 1 : i32
    %broadcast_in_dim3A_155 = vector.broadcast %broadcast_in_dim3A_154 : i32 to vector<16xi32>
    %gather3A_156 = tpu.vector_load_idx %arg10[%broadcast_in_dim3A_153, %broadcast_in_dim3A_155, %gather3A_151] : memref<2x4x8192xf32, #tpu.memory_space<vmem>>[vector<16xi32>, vector<16xi32>, vector<16xi32>], vector<16xf32>,
    %reduce_max3A_157 = arith.constant true
    %reduce_max3A_158 = vector.broadcast %reduce_max3A_157 : i1 to vector<16xi1>
    %reduce_max3A_159 = tpu.scan <max>, %gather3A_156 masked %reduce_max3A_158 : vector<16xf32>, vector<16xi1> -> vector<16xf32>
    %reduce_max3A_160 = vector.extract %reduce_max3A_159[15] : f32 from vector<16xf32>
    %eq3A_161 = arith.cmpf oeq, %reduce_max3A_160, %reduce_max3A_138 : f32
    %sub3A_162 = arith.subf %reduce_max3A_138, %reduce_max3A_147 : f32
    %jit3A_163 = arith.constant 0.000000e+00 : f32
    %select_n3A_164 = arith.select %eq3A_161, %sub3A_162, %jit3A_163 : f32
    %eq3A_165 = arith.constant 0 : i32
    %eq3A_166 = vector.broadcast %eq3A_165 : i32 to vector<16xi32>
    %eq3A_167 = arith.cmpi eq, %iota3A, %eq3A_166 : vector<16xi32>
    %get3A_168 = arith.constant 1 : i32
    %get3A_169 = arith.index_cast %get3A_168 : i32 to index
    %get3A_170 = arith.constant 0 : index
    %get3A_171 = tpu.vector_load %arg12[%get3A_169, %get3A_170] {strides = array<i32>} : memref<4x16xf32, #tpu.memory_space<vmem>>, vector<16xf32>,
    %broadcast_in_dim3A_172 = vector.broadcast %select_n3A_164 : f32 to vector<16xf32>
    %select_n3A_173 = arith.select %eq3A_167, %broadcast_in_dim3A_172, %get3A_171 : vector<16xi1>, vector<16xf32>
    %swap3A_174 = arith.constant 1 : i32
    %swap3A_175 = arith.index_cast %swap3A_174 : i32 to index
    %swap3A_176 = arith.constant 0 : index
    %swap3A_177 = tpu.vector_load %arg12[%swap3A_175, %swap3A_176] {strides = array<i32>} : memref<4x16xf32, #tpu.memory_space<vmem>>, vector<16xf32>,
    tpu.vector_store %arg12[%swap3A_175, %swap3A_176], %select_n3A_173 {strides = array<i32>} : memref<4x16xf32, #tpu.memory_space<vmem>>, vector<16xf32>,
    %lt3A_178 = arith.constant 0 : i32
    %lt3A_179 = arith.constant 4 : i32
    %lt3A_180 = arith.cmpi slt, %lt3A_178, %lt3A_179 : i32
    %max3A_181 = arith.maximumf %select_n3A_134, %reduce_max3A_138 : f32
    %select_n3A_182 = arith.select %lt3A_180, %max3A_181, %select_n3A_134 : f32
    %reduce_max3A_183 = arith.constant true
    %reduce_max3A_184 = vector.broadcast %reduce_max3A_183 : i1 to vector<16xi1>
    %reduce_max3A_185 = tpu.scan <max>, %scan3A_93#4 masked %reduce_max3A_184 : vector<16xf32>, vector<16xi1> -> vector<16xf32>
    %reduce_max3A_186 = vector.extract %reduce_max3A_185[15] : f32 from vector<16xf32>
    %broadcast_in_dim3A_187 = vector.broadcast %reduce_max3A_186 : f32 to vector<16xf32>
    %eq3A_188 = arith.cmpf oeq, %scan3A_93#4, %broadcast_in_dim3A_187 : vector<16xf32>
    %all_reduce_ffs3A_189 = tpu.all_reduce %eq3A_188 {dim = 0 : i64, kind = #tpu.reduction_kind<find_first_set>} : vector<16xi1> -> vector<16xi32>
    %eq3A_190 = arith.cmpi eq, %iota3A, %all_reduce_ffs3A_189 : vector<16xi32>
    %select_n3A_191 = arith.select %eq3A_190, %scan3A_93#5, %scan3A_93#4 : vector<16xi1>, vector<16xf32>
    %reduce_max3A_192 = arith.constant true
    %reduce_max3A_193 = vector.broadcast %reduce_max3A_192 : i1 to vector<16xi1>
    %reduce_max3A_194 = tpu.scan <max>, %select_n3A_191 masked %reduce_max3A_193 : vector<16xf32>, vector<16xi1> -> vector<16xf32>
    %reduce_max3A_195 = vector.extract %reduce_max3A_194[15] : f32 from vector<16xf32>
    %add3A_196 = arith.constant 2 : i32
    %add3A_197 = arith.addi %mul3A_2, %add3A_196 : i32
    %broadcast_in_dim3A_198 = vector.broadcast %add3A_197 : i32 to vector<16xi32>
    %gather3A_199 = tpu.vector_load_idx %arg11[%broadcast_in_dim3A_198] : memref<128xi32, #tpu.memory_space<vmem>>[vector<16xi32>], vector<16xi32>,
    %broadcast_in_dim3A_200 = arith.constant 0 : i32
    %broadcast_in_dim3A_201 = vector.broadcast %broadcast_in_dim3A_200 : i32 to vector<16xi32>
    %broadcast_in_dim3A_202 = arith.constant 2 : i32
    %broadcast_in_dim3A_203 = vector.broadcast %broadcast_in_dim3A_202 : i32 to vector<16xi32>
    %gather3A_204 = tpu.vector_load_idx %arg10[%broadcast_in_dim3A_201, %broadcast_in_dim3A_203, %gather3A_199] : memref<2x4x8192xf32, #tpu.memory_space<vmem>>[vector<16xi32>, vector<16xi32>, vector<16xi32>], vector<16xf32>,
    %reduce_max3A_205 = arith.constant true
    %reduce_max3A_206 = vector.broadcast %reduce_max3A_205 : i1 to vector<16xi1>
    %reduce_max3A_207 = tpu.scan <max>, %gather3A_204 masked %reduce_max3A_206 : vector<16xf32>, vector<16xi1> -> vector<16xf32>
    %reduce_max3A_208 = vector.extract %reduce_max3A_207[15] : f32 from vector<16xf32>
    %eq3A_209 = arith.cmpf oeq, %reduce_max3A_208, %reduce_max3A_186 : f32
    %sub3A_210 = arith.subf %reduce_max3A_186, %reduce_max3A_195 : f32
    %jit3A_211 = arith.constant 0.000000e+00 : f32
    %select_n3A_212 = arith.select %eq3A_209, %sub3A_210, %jit3A_211 : f32
    %eq3A_213 = arith.constant 0 : i32
    %eq3A_214 = vector.broadcast %eq3A_213 : i32 to vector<16xi32>
    %eq3A_215 = arith.cmpi eq, %iota3A, %eq3A_214 : vector<16xi32>
    %get3A_216 = arith.constant 2 : i32
    %get3A_217 = arith.index_cast %get3A_216 : i32 to index
    %get3A_218 = arith.constant 0 : index
    %get3A_219 = tpu.vector_load %arg12[%get3A_217, %get3A_218] {strides = array<i32>} : memref<4x16xf32, #tpu.memory_space<vmem>>, vector<16xf32>,
    %broadcast_in_dim3A_220 = vector.broadcast %select_n3A_212 : f32 to vector<16xf32>
    %select_n3A_221 = arith.select %eq3A_215, %broadcast_in_dim3A_220, %get3A_219 : vector<16xi1>, vector<16xf32>
    %swap3A_222 = arith.constant 2 : i32
    %swap3A_223 = arith.index_cast %swap3A_222 : i32 to index
    %swap3A_224 = arith.constant 0 : index
    %swap3A_225 = tpu.vector_load %arg12[%swap3A_223, %swap3A_224] {strides = array<i32>} : memref<4x16xf32, #tpu.memory_space<vmem>>, vector<16xf32>,
    tpu.vector_store %arg12[%swap3A_223, %swap3A_224], %select_n3A_221 {strides = array<i32>} : memref<4x16xf32, #tpu.memory_space<vmem>>, vector<16xf32>,
    %lt3A_226 = arith.constant 0 : i32
    %lt3A_227 = arith.constant 4 : i32
    %lt3A_228 = arith.cmpi slt, %lt3A_226, %lt3A_227 : i32
    %max3A_229 = arith.maximumf %select_n3A_182, %reduce_max3A_186 : f32
    %select_n3A_230 = arith.select %lt3A_228, %max3A_229, %select_n3A_182 : f32
    %reduce_max3A_231 = arith.constant true
    %reduce_max3A_232 = vector.broadcast %reduce_max3A_231 : i1 to vector<16xi1>
    %reduce_max3A_233 = tpu.scan <max>, %scan3A_93#6 masked %reduce_max3A_232 : vector<16xf32>, vector<16xi1> -> vector<16xf32>
    %reduce_max3A_234 = vector.extract %reduce_max3A_233[15] : f32 from vector<16xf32>
    %broadcast_in_dim3A_235 = vector.broadcast %reduce_max3A_234 : f32 to vector<16xf32>
    %eq3A_236 = arith.cmpf oeq, %scan3A_93#6, %broadcast_in_dim3A_235 : vector<16xf32>
    %all_reduce_ffs3A_237 = tpu.all_reduce %eq3A_236 {dim = 0 : i64, kind = #tpu.reduction_kind<find_first_set>} : vector<16xi1> -> vector<16xi32>
    %eq3A_238 = arith.cmpi eq, %iota3A, %all_reduce_ffs3A_237 : vector<16xi32>
    %select_n3A_239 = arith.select %eq3A_238, %scan3A_93#7, %scan3A_93#6 : vector<16xi1>, vector<16xf32>
    %reduce_max3A_240 = arith.constant true
    %reduce_max3A_241 = vector.broadcast %reduce_max3A_240 : i1 to vector<16xi1>
    %reduce_max3A_242 = tpu.scan <max>, %select_n3A_239 masked %reduce_max3A_241 : vector<16xf32>, vector<16xi1> -> vector<16xf32>
    %reduce_max3A_243 = vector.extract %reduce_max3A_242[15] : f32 from vector<16xf32>
    %add3A_244 = arith.constant 3 : i32
    %add3A_245 = arith.addi %mul3A_2, %add3A_244 : i32
    %broadcast_in_dim3A_246 = vector.broadcast %add3A_245 : i32 to vector<16xi32>
    %gather3A_247 = tpu.vector_load_idx %arg11[%broadcast_in_dim3A_246] : memref<128xi32, #tpu.memory_space<vmem>>[vector<16xi32>], vector<16xi32>,
    %broadcast_in_dim3A_248 = arith.constant 0 : i32
    %broadcast_in_dim3A_249 = vector.broadcast %broadcast_in_dim3A_248 : i32 to vector<16xi32>
    %broadcast_in_dim3A_250 = arith.constant 3 : i32
    %broadcast_in_dim3A_251 = vector.broadcast %broadcast_in_dim3A_250 : i32 to vector<16xi32>
    %gather3A_252 = tpu.vector_load_idx %arg10[%broadcast_in_dim3A_249, %broadcast_in_dim3A_251, %gather3A_247] : memref<2x4x8192xf32, #tpu.memory_space<vmem>>[vector<16xi32>, vector<16xi32>, vector<16xi32>], vector<16xf32>,
    %reduce_max3A_253 = arith.constant true
    %reduce_max3A_254 = vector.broadcast %reduce_max3A_253 : i1 to vector<16xi1>
    %reduce_max3A_255 = tpu.scan <max>, %gather3A_252 masked %reduce_max3A_254 : vector<16xf32>, vector<16xi1> -> vector<16xf32>
    %reduce_max3A_256 = vector.extract %reduce_max3A_255[15] : f32 from vector<16xf32>
    %eq3A_257 = arith.cmpf oeq, %reduce_max3A_256, %reduce_max3A_234 : f32
    %sub3A_258 = arith.subf %reduce_max3A_234, %reduce_max3A_243 : f32
    %jit3A_259 = arith.constant 0.000000e+00 : f32
    %select_n3A_260 = arith.select %eq3A_257, %sub3A_258, %jit3A_259 : f32
    %eq3A_261 = arith.constant 0 : i32
    %eq3A_262 = vector.broadcast %eq3A_261 : i32 to vector<16xi32>
    %eq3A_263 = arith.cmpi eq, %iota3A, %eq3A_262 : vector<16xi32>
    %get3A_264 = arith.constant 3 : i32
    %get3A_265 = arith.index_cast %get3A_264 : i32 to index
    %get3A_266 = arith.constant 0 : index
    %get3A_267 = tpu.vector_load %arg12[%get3A_265, %get3A_266] {strides = array<i32>} : memref<4x16xf32, #tpu.memory_space<vmem>>, vector<16xf32>,
    %broadcast_in_dim3A_268 = vector.broadcast %select_n3A_260 : f32 to vector<16xf32>
    %select_n3A_269 = arith.select %eq3A_263, %broadcast_in_dim3A_268, %get3A_267 : vector<16xi1>, vector<16xf32>
    %swap3A_270 = arith.constant 3 : i32
    %swap3A_271 = arith.index_cast %swap3A_270 : i32 to index
    %swap3A_272 = arith.constant 0 : index
    %swap3A_273 = tpu.vector_load %arg12[%swap3A_271, %swap3A_272] {strides = array<i32>} : memref<4x16xf32, #tpu.memory_space<vmem>>, vector<16xf32>,
    tpu.vector_store %arg12[%swap3A_271, %swap3A_272], %select_n3A_269 {strides = array<i32>} : memref<4x16xf32, #tpu.memory_space<vmem>>, vector<16xf32>,
    %lt3A_274 = arith.constant 0 : i32
    %lt3A_275 = arith.constant 4 : i32
    %lt3A_276 = arith.cmpi slt, %lt3A_274, %lt3A_275 : i32
    %max3A_277 = arith.maximumf %select_n3A_230, %reduce_max3A_234 : f32
    %select_n3A_278 = arith.select %lt3A_276, %max3A_277, %select_n3A_230 : f32
    %scan3A_279 = arith.constant 1 : i32
    %scan3A_280 = arith.constant 4 : i32
    %scan3A_281 = arith.addi %scan3A_279, %scan3A_280 : i32
    %scan3A_282 = arith.constant 1 : i32
    %scan3A_283 = scf.for %scan3A_394 = %scan3A_279 to %scan3A_281 step %scan3A_282 iter_args(%scan3A_395 = %select_n3A_278) -> (f32)  : i32 {
      %rem3A = arith.constant 2 : i32
      %rem3A_396 = arith.remsi %scan3A_394, %rem3A : i32
      %eq3A_397 = arith.constant 1 : i32
      %eq3A_398 = arith.cmpi eq, %scan3A_394, %eq3A_397 : i32
      %convert_element_type3A = arith.extui %eq3A_398 : i1 to i32
      %cond3A = arith.constant 0 : i32
      %cond3A_399 = arith.cmpi ne, %convert_element_type3A, %cond3A : i32
      scf.if %cond3A_399 {
        %dma_start3A_606 = arith.constant 0 : i32
        %dma_start3A_607 = arith.constant 0 : i32
        %dma_start3A_608 = arith.constant 0 : i32
        %dma_start3A_609 = tpu.memref_slice %arg10[%dma_start3A_606, %dma_start3A_607, %dma_start3A_608] : memref<2x4x8192xf32, #tpu.memory_space<vmem>> -> memref<1x4x8192xf32, #tpu.memory_space<vmem>>
        %dma_start3A_610 = tpu.memref_squeeze %dma_start3A_609 : memref<1x4x8192xf32, #tpu.memory_space<vmem>> -> memref<4x8192xf32, #tpu.memory_space<vmem>>
        %dma_start3A_611 = arith.constant 0 : i32
        %dma_start3A_612 = tpu.memref_slice %arg4[%mul3A_2, %dma_start3A_611] : memref<128x8192xf32, #tpu.memory_space<hbm>> -> memref<4x8192xf32, #tpu.memory_space<hbm>>
        %dma_start3A_613 = arith.constant 0 : i32
        %dma_start3A_614 = arith.constant 0 : i32
        %dma_start3A_615 = tpu.memref_slice %arg10[%dma_start3A_606, %dma_start3A_613, %dma_start3A_614] : memref<2x4x8192xf32, #tpu.memory_space<vmem>> -> memref<1x4x8192xf32, #tpu.memory_space<vmem>>
        %dma_start3A_616 = tpu.memref_squeeze %dma_start3A_615 : memref<1x4x8192xf32, #tpu.memory_space<vmem>> -> memref<4x8192xf32, #tpu.memory_space<vmem>>
        %dma_start3A_617 = arith.constant 0 : i32
        %dma_start3A_618 = tpu.memref_slice %arg4[%mul3A_2, %dma_start3A_617] : memref<128x8192xf32, #tpu.memory_space<hbm>> -> memref<4x8192xf32, #tpu.memory_space<hbm>>
        tpu.enqueue_dma source(%dma_start3A_618 : memref<4x8192xf32, #tpu.memory_space<hbm>>) target(%dma_start3A_616 : memref<4x8192xf32, #tpu.memory_space<vmem>>) target_semaphore(%arg15 : memref<!tpu.dma_semaphore, #tpu.memory_space<semaphore_mem>>)
      } else {
      }
      %eq3A_400 = arith.constant 2 : i32
      %eq3A_401 = arith.cmpi eq, %scan3A_394, %eq3A_400 : i32
      %convert_element_type3A_402 = arith.extui %eq3A_401 : i1 to i32
      %cond3A_403 = arith.constant 0 : i32
      %cond3A_404 = arith.cmpi ne, %convert_element_type3A_402, %cond3A_403 : i32
      scf.if %cond3A_404 {
        %dma_start3A_606 = arith.constant 1 : i32
        %dma_start3A_607 = arith.constant 0 : i32
        %dma_start3A_608 = arith.constant 0 : i32
        %dma_start3A_609 = tpu.memref_slice %arg10[%dma_start3A_606, %dma_start3A_607, %dma_start3A_608] : memref<2x4x8192xf32, #tpu.memory_space<vmem>> -> memref<1x4x8192xf32, #tpu.memory_space<vmem>>
        %dma_start3A_610 = tpu.memref_squeeze %dma_start3A_609 : memref<1x4x8192xf32, #tpu.memory_space<vmem>> -> memref<4x8192xf32, #tpu.memory_space<vmem>>
        %dma_start3A_611 = arith.constant 0 : i32
        %dma_start3A_612 = tpu.memref_slice %arg5[%mul3A_2, %dma_start3A_611] : memref<128x8192xf32, #tpu.memory_space<hbm>> -> memref<4x8192xf32, #tpu.memory_space<hbm>>
        %dma_start3A_613 = arith.constant 0 : i32
        %dma_start3A_614 = arith.constant 0 : i32
        %dma_start3A_615 = tpu.memref_slice %arg10[%dma_start3A_606, %dma_start3A_613, %dma_start3A_614] : memref<2x4x8192xf32, #tpu.memory_space<vmem>> -> memref<1x4x8192xf32, #tpu.memory_space<vmem>>
        %dma_start3A_616 = tpu.memref_squeeze %dma_start3A_615 : memref<1x4x8192xf32, #tpu.memory_space<vmem>> -> memref<4x8192xf32, #tpu.memory_space<vmem>>
        %dma_start3A_617 = arith.constant 0 : i32
        %dma_start3A_618 = tpu.memref_slice %arg5[%mul3A_2, %dma_start3A_617] : memref<128x8192xf32, #tpu.memory_space<hbm>> -> memref<4x8192xf32, #tpu.memory_space<hbm>>
        tpu.enqueue_dma source(%dma_start3A_618 : memref<4x8192xf32, #tpu.memory_space<hbm>>) target(%dma_start3A_616 : memref<4x8192xf32, #tpu.memory_space<vmem>>) target_semaphore(%arg16 : memref<!tpu.dma_semaphore, #tpu.memory_space<semaphore_mem>>)
      } else {
      }
      %eq3A_405 = arith.constant 3 : i32
      %eq3A_406 = arith.cmpi eq, %scan3A_394, %eq3A_405 : i32
      %convert_element_type3A_407 = arith.extui %eq3A_406 : i1 to i32
      %cond3A_408 = arith.constant 0 : i32
      %cond3A_409 = arith.cmpi ne, %convert_element_type3A_407, %cond3A_408 : i32
      scf.if %cond3A_409 {
        %dma_start3A_606 = arith.constant 0 : i32
        %dma_start3A_607 = arith.constant 0 : i32
        %dma_start3A_608 = arith.constant 0 : i32
        %dma_start3A_609 = tpu.memref_slice %arg10[%dma_start3A_606, %dma_start3A_607, %dma_start3A_608] : memref<2x4x8192xf32, #tpu.memory_space<vmem>> -> memref<1x4x8192xf32, #tpu.memory_space<vmem>>
        %dma_start3A_610 = tpu.memref_squeeze %dma_start3A_609 : memref<1x4x8192xf32, #tpu.memory_space<vmem>> -> memref<4x8192xf32, #tpu.memory_space<vmem>>
        %dma_start3A_611 = arith.constant 0 : i32
        %dma_start3A_612 = tpu.memref_slice %arg6[%mul3A_2, %dma_start3A_611] : memref<128x8192xf32, #tpu.memory_space<hbm>> -> memref<4x8192xf32, #tpu.memory_space<hbm>>
        %dma_start3A_613 = arith.constant 0 : i32
        %dma_start3A_614 = arith.constant 0 : i32
        %dma_start3A_615 = tpu.memref_slice %arg10[%dma_start3A_606, %dma_start3A_613, %dma_start3A_614] : memref<2x4x8192xf32, #tpu.memory_space<vmem>> -> memref<1x4x8192xf32, #tpu.memory_space<vmem>>
        %dma_start3A_616 = tpu.memref_squeeze %dma_start3A_615 : memref<1x4x8192xf32, #tpu.memory_space<vmem>> -> memref<4x8192xf32, #tpu.memory_space<vmem>>
        %dma_start3A_617 = arith.constant 0 : i32
        %dma_start3A_618 = tpu.memref_slice %arg6[%mul3A_2, %dma_start3A_617] : memref<128x8192xf32, #tpu.memory_space<hbm>> -> memref<4x8192xf32, #tpu.memory_space<hbm>>
        tpu.enqueue_dma source(%dma_start3A_618 : memref<4x8192xf32, #tpu.memory_space<hbm>>) target(%dma_start3A_616 : memref<4x8192xf32, #tpu.memory_space<vmem>>) target_semaphore(%arg15 : memref<!tpu.dma_semaphore, #tpu.memory_space<semaphore_mem>>)
      } else {
      }
      %eq3A_410 = arith.constant 0 : i32
      %eq3A_411 = arith.cmpi eq, %rem3A_396, %eq3A_410 : i32
      %convert_element_type3A_412 = arith.extui %eq3A_411 : i1 to i32
      %cond3A_413 = arith.constant 0 : i32
      %cond3A_414 = arith.cmpi ne, %convert_element_type3A_412, %cond3A_413 : i32
      scf.if %cond3A_414 {
        %dma_wait3A_606 = arith.constant 0 : i32
        %dma_wait3A_607 = arith.constant 0 : i32
        %dma_wait3A_608 = arith.constant 0 : i32
        %dma_wait3A_609 = tpu.memref_slice %arg10[%dma_wait3A_606, %dma_wait3A_607, %dma_wait3A_608] : memref<2x4x8192xf32, #tpu.memory_space<vmem>> -> memref<1x4x8192xf32, #tpu.memory_space<vmem>>
        %dma_wait3A_610 = tpu.memref_squeeze %dma_wait3A_609 : memref<1x4x8192xf32, #tpu.memory_space<vmem>> -> memref<4x8192xf32, #tpu.memory_space<vmem>>
        %dma_wait3A_611 = arith.constant 0 : i32
        %dma_wait3A_612 = tpu.memref_slice %arg2[%mul3A_2, %dma_wait3A_611] : memref<128x8192xf32, #tpu.memory_space<hbm>> -> memref<4x8192xf32, #tpu.memory_space<hbm>>
        %dma_wait3A_613 = arith.constant 0 : i32
        %dma_wait3A_614 = arith.constant 0 : i32
        %dma_wait3A_615 = tpu.memref_slice %arg10[%dma_wait3A_606, %dma_wait3A_613, %dma_wait3A_614] : memref<2x4x8192xf32, #tpu.memory_space<vmem>> -> memref<1x4x8192xf32, #tpu.memory_space<vmem>>
        %dma_wait3A_616 = tpu.memref_squeeze %dma_wait3A_615 : memref<1x4x8192xf32, #tpu.memory_space<vmem>> -> memref<4x8192xf32, #tpu.memory_space<vmem>>
        %dma_wait3A_617 = arith.constant 0 : i32
        %dma_wait3A_618 = tpu.memref_slice %arg2[%mul3A_2, %dma_wait3A_617] : memref<128x8192xf32, #tpu.memory_space<hbm>> -> memref<4x8192xf32, #tpu.memory_space<hbm>>
        tpu.wait_dma2 semaphore(%arg15 : memref<!tpu.dma_semaphore, #tpu.memory_space<semaphore_mem>>) src(%dma_wait3A_618 : memref<4x8192xf32, #tpu.memory_space<hbm>>) dst(%dma_wait3A_616 : memref<4x8192xf32, #tpu.memory_space<vmem>>)
      } else {
      }
      %eq3A_415 = arith.constant 1 : i32
      %eq3A_416 = arith.cmpi eq, %rem3A_396, %eq3A_415 : i32
      %convert_element_type3A_417 = arith.extui %eq3A_416 : i1 to i32
      %cond3A_418 = arith.constant 0 : i32
      %cond3A_419 = arith.cmpi ne, %convert_element_type3A_417, %cond3A_418 : i32
      scf.if %cond3A_419 {
        %dma_wait3A_606 = arith.constant 1 : i32
        %dma_wait3A_607 = arith.constant 0 : i32
        %dma_wait3A_608 = arith.constant 0 : i32
        %dma_wait3A_609 = tpu.memref_slice %arg10[%dma_wait3A_606, %dma_wait3A_607, %dma_wait3A_608] : memref<2x4x8192xf32, #tpu.memory_space<vmem>> -> memref<1x4x8192xf32, #tpu.memory_space<vmem>>
        %dma_wait3A_610 = tpu.memref_squeeze %dma_wait3A_609 : memref<1x4x8192xf32, #tpu.memory_space<vmem>> -> memref<4x8192xf32, #tpu.memory_space<vmem>>
        %dma_wait3A_611 = arith.constant 0 : i32
        %dma_wait3A_612 = tpu.memref_slice %arg2[%mul3A_2, %dma_wait3A_611] : memref<128x8192xf32, #tpu.memory_space<hbm>> -> memref<4x8192xf32, #tpu.memory_space<hbm>>
        %dma_wait3A_613 = arith.constant 0 : i32
        %dma_wait3A_614 = arith.constant 0 : i32
        %dma_wait3A_615 = tpu.memref_slice %arg10[%dma_wait3A_606, %dma_wait3A_613, %dma_wait3A_614] : memref<2x4x8192xf32, #tpu.memory_space<vmem>> -> memref<1x4x8192xf32, #tpu.memory_space<vmem>>
        %dma_wait3A_616 = tpu.memref_squeeze %dma_wait3A_615 : memref<1x4x8192xf32, #tpu.memory_space<vmem>> -> memref<4x8192xf32, #tpu.memory_space<vmem>>
        %dma_wait3A_617 = arith.constant 0 : i32
        %dma_wait3A_618 = tpu.memref_slice %arg2[%mul3A_2, %dma_wait3A_617] : memref<128x8192xf32, #tpu.memory_space<hbm>> -> memref<4x8192xf32, #tpu.memory_space<hbm>>
        tpu.wait_dma2 semaphore(%arg16 : memref<!tpu.dma_semaphore, #tpu.memory_space<semaphore_mem>>) src(%dma_wait3A_618 : memref<4x8192xf32, #tpu.memory_space<hbm>>) dst(%dma_wait3A_616 : memref<4x8192xf32, #tpu.memory_space<vmem>>)
      } else {
      }
      %scan3A_420 = arith.constant 0 : i32
      %scan3A_421 = arith.constant 128 : i32
      %scan3A_422 = arith.addi %scan3A_420, %scan3A_421 : i32
      %scan3A_423 = arith.constant 1 : i32
      %scan3A_424:8 = scf.for %scan3A_606 = %scan3A_420 to %scan3A_422 step %scan3A_423 iter_args(%scan3A_607 = %broadcast_in_dim3A_5, %scan3A_608 = %broadcast_in_dim3A_5, %scan3A_609 = %broadcast_in_dim3A_5, %scan3A_610 = %broadcast_in_dim3A_5, %scan3A_611 = %broadcast_in_dim3A_5, %scan3A_612 = %broadcast_in_dim3A_5, %scan3A_613 = %broadcast_in_dim3A_5, %scan3A_614 = %broadcast_in_dim3A_5) -> (vector<16xf32>, vector<16xf32>, vector<16xf32>, vector<16xf32>, vector<16xf32>, vector<16xf32>, vector<16xf32>, vector<16xf32>)  : i32 {
        %mul3A_615 = arith.constant 4 : i32
        %mul3A_616 = arith.muli %scan3A_606, %mul3A_615 : i32
        %add3A_617 = arith.constant 0 : i32
        %add3A_618 = arith.addi %add3A_617, %mul3A_616 : i32
        %add3A_619 = arith.constant 0 : i32
        %add3A_620 = arith.addi %add3A_618, %add3A_619 : i32
        %mul3A_621 = arith.constant 16 : i32
        %mul3A_622 = arith.muli %add3A_620, %mul3A_621 : i32
        %get3A_623 = arith.constant 0 : i32
        %get3A_624 = arith.index_cast %rem3A_396 : i32 to index
        %get3A_625 = arith.index_cast %get3A_623 : i32 to index
        %get3A_626 = arith.index_cast %mul3A_622 : i32 to index
        %get3A_627 = tpu.vector_load %arg10[%get3A_624, %get3A_625, %get3A_626] {strides = array<i32>} : memref<2x4x8192xf32, #tpu.memory_space<vmem>>, vector<16xf32>,
        %min3A = arith.minimumf %scan3A_607, %get3A_627 : vector<16xf32>
        %max3A_628 = arith.maximumf %scan3A_608, %min3A : vector<16xf32>
        %max3A_629 = arith.maximumf %scan3A_607, %get3A_627 : vector<16xf32>
        %mul3A_630 = arith.constant 4 : i32
        %mul3A_631 = arith.muli %scan3A_606, %mul3A_630 : i32
        %add3A_632 = arith.constant 0 : i32
        %add3A_633 = arith.addi %add3A_632, %mul3A_631 : i32
        %add3A_634 = arith.constant 0 : i32
        %add3A_635 = arith.addi %add3A_633, %add3A_634 : i32
        %mul3A_636 = arith.constant 16 : i32
        %mul3A_637 = arith.muli %add3A_635, %mul3A_636 : i32
        %get3A_638 = arith.constant 1 : i32
        %get3A_639 = arith.index_cast %rem3A_396 : i32 to index
        %get3A_640 = arith.index_cast %get3A_638 : i32 to index
        %get3A_641 = arith.index_cast %mul3A_637 : i32 to index
        %get3A_642 = tpu.vector_load %arg10[%get3A_639, %get3A_640, %get3A_641] {strides = array<i32>} : memref<2x4x8192xf32, #tpu.memory_space<vmem>>, vector<16xf32>,
        %min3A_643 = arith.minimumf %scan3A_609, %get3A_642 : vector<16xf32>
        %max3A_644 = arith.maximumf %scan3A_610, %min3A_643 : vector<16xf32>
        %max3A_645 = arith.maximumf %scan3A_609, %get3A_642 : vector<16xf32>
        %mul3A_646 = arith.constant 4 : i32
        %mul3A_647 = arith.muli %scan3A_606, %mul3A_646 : i32
        %add3A_648 = arith.constant 0 : i32
        %add3A_649 = arith.addi %add3A_648, %mul3A_647 : i32
        %add3A_650 = arith.constant 0 : i32
        %add3A_651 = arith.addi %add3A_649, %add3A_650 : i32
        %mul3A_652 = arith.constant 16 : i32
        %mul3A_653 = arith.muli %add3A_651, %mul3A_652 : i32
        %get3A_654 = arith.constant 2 : i32
        %get3A_655 = arith.index_cast %rem3A_396 : i32 to index
        %get3A_656 = arith.index_cast %get3A_654 : i32 to index
        %get3A_657 = arith.index_cast %mul3A_653 : i32 to index
        %get3A_658 = tpu.vector_load %arg10[%get3A_655, %get3A_656, %get3A_657] {strides = array<i32>} : memref<2x4x8192xf32, #tpu.memory_space<vmem>>, vector<16xf32>,
        %min3A_659 = arith.minimumf %scan3A_611, %get3A_658 : vector<16xf32>
        %max3A_660 = arith.maximumf %scan3A_612, %min3A_659 : vector<16xf32>
        %max3A_661 = arith.maximumf %scan3A_611, %get3A_658 : vector<16xf32>
        %mul3A_662 = arith.constant 4 : i32
        %mul3A_663 = arith.muli %scan3A_606, %mul3A_662 : i32
        %add3A_664 = arith.constant 0 : i32
        %add3A_665 = arith.addi %add3A_664, %mul3A_663 : i32
        %add3A_666 = arith.constant 0 : i32
        %add3A_667 = arith.addi %add3A_665, %add3A_666 : i32
        %mul3A_668 = arith.constant 16 : i32
        %mul3A_669 = arith.muli %add3A_667, %mul3A_668 : i32
        %get3A_670 = arith.constant 3 : i32
        %get3A_671 = arith.index_cast %rem3A_396 : i32 to index
        %get3A_672 = arith.index_cast %get3A_670 : i32 to index
        %get3A_673 = arith.index_cast %mul3A_669 : i32 to index
        %get3A_674 = tpu.vector_load %arg10[%get3A_671, %get3A_672, %get3A_673] {strides = array<i32>} : memref<2x4x8192xf32, #tpu.memory_space<vmem>>, vector<16xf32>,
        %min3A_675 = arith.minimumf %scan3A_613, %get3A_674 : vector<16xf32>
        %max3A_676 = arith.maximumf %scan3A_614, %min3A_675 : vector<16xf32>
        %max3A_677 = arith.maximumf %scan3A_613, %get3A_674 : vector<16xf32>
        %mul3A_678 = arith.constant 4 : i32
        %mul3A_679 = arith.muli %scan3A_606, %mul3A_678 : i32
        %add3A_680 = arith.constant 0 : i32
        %add3A_681 = arith.addi %add3A_680, %mul3A_679 : i32
        %add3A_682 = arith.constant 1 : i32
        %add3A_683 = arith.addi %add3A_681, %add3A_682 : i32
        %mul3A_684 = arith.constant 16 : i32
        %mul3A_685 = arith.muli %add3A_683, %mul3A_684 : i32
        %get3A_686 = arith.constant 0 : i32
        %get3A_687 = arith.index_cast %rem3A_396 : i32 to index
        %get3A_688 = arith.index_cast %get3A_686 : i32 to index
        %get3A_689 = arith.index_cast %mul3A_685 : i32 to index
        %get3A_690 = tpu.vector_load %arg10[%get3A_687, %get3A_688, %get3A_689] {strides = array<i32>} : memref<2x4x8192xf32, #tpu.memory_space<vmem>>, vector<16xf32>,
        %min3A_691 = arith.minimumf %max3A_629, %get3A_690 : vector<16xf32>
        %max3A_692 = arith.maximumf %max3A_628, %min3A_691 : vector<16xf32>
        %max3A_693 = arith.maximumf %max3A_629, %get3A_690 : vector<16xf32>
        %mul3A_694 = arith.constant 4 : i32
        %mul3A_695 = arith.muli %scan3A_606, %mul3A_694 : i32
        %add3A_696 = arith.constant 0 : i32
        %add3A_697 = arith.addi %add3A_696, %mul3A_695 : i32
        %add3A_698 = arith.constant 1 : i32
        %add3A_699 = arith.addi %add3A_697, %add3A_698 : i32
        %mul3A_700 = arith.constant 16 : i32
        %mul3A_701 = arith.muli %add3A_699, %mul3A_700 : i32
        %get3A_702 = arith.constant 1 : i32
        %get3A_703 = arith.index_cast %rem3A_396 : i32 to index
        %get3A_704 = arith.index_cast %get3A_702 : i32 to index
        %get3A_705 = arith.index_cast %mul3A_701 : i32 to index
        %get3A_706 = tpu.vector_load %arg10[%get3A_703, %get3A_704, %get3A_705] {strides = array<i32>} : memref<2x4x8192xf32, #tpu.memory_space<vmem>>, vector<16xf32>,
        %min3A_707 = arith.minimumf %max3A_645, %get3A_706 : vector<16xf32>
        %max3A_708 = arith.maximumf %max3A_644, %min3A_707 : vector<16xf32>
        %max3A_709 = arith.maximumf %max3A_645, %get3A_706 : vector<16xf32>
        %mul3A_710 = arith.constant 4 : i32
        %mul3A_711 = arith.muli %scan3A_606, %mul3A_710 : i32
        %add3A_712 = arith.constant 0 : i32
        %add3A_713 = arith.addi %add3A_712, %mul3A_711 : i32
        %add3A_714 = arith.constant 1 : i32
        %add3A_715 = arith.addi %add3A_713, %add3A_714 : i32
        %mul3A_716 = arith.constant 16 : i32
        %mul3A_717 = arith.muli %add3A_715, %mul3A_716 : i32
        %get3A_718 = arith.constant 2 : i32
        %get3A_719 = arith.index_cast %rem3A_396 : i32 to index
        %get3A_720 = arith.index_cast %get3A_718 : i32 to index
        %get3A_721 = arith.index_cast %mul3A_717 : i32 to index
        %get3A_722 = tpu.vector_load %arg10[%get3A_719, %get3A_720, %get3A_721] {strides = array<i32>} : memref<2x4x8192xf32, #tpu.memory_space<vmem>>, vector<16xf32>,
        %min3A_723 = arith.minimumf %max3A_661, %get3A_722 : vector<16xf32>
        %max3A_724 = arith.maximumf %max3A_660, %min3A_723 : vector<16xf32>
        %max3A_725 = arith.maximumf %max3A_661, %get3A_722 : vector<16xf32>
        %mul3A_726 = arith.constant 4 : i32
        %mul3A_727 = arith.muli %scan3A_606, %mul3A_726 : i32
        %add3A_728 = arith.constant 0 : i32
        %add3A_729 = arith.addi %add3A_728, %mul3A_727 : i32
        %add3A_730 = arith.constant 1 : i32
        %add3A_731 = arith.addi %add3A_729, %add3A_730 : i32
        %mul3A_732 = arith.constant 16 : i32
        %mul3A_733 = arith.muli %add3A_731, %mul3A_732 : i32
        %get3A_734 = arith.constant 3 : i32
        %get3A_735 = arith.index_cast %rem3A_396 : i32 to index
        %get3A_736 = arith.index_cast %get3A_734 : i32 to index
        %get3A_737 = arith.index_cast %mul3A_733 : i32 to index
        %get3A_738 = tpu.vector_load %arg10[%get3A_735, %get3A_736, %get3A_737] {strides = array<i32>} : memref<2x4x8192xf32, #tpu.memory_space<vmem>>, vector<16xf32>,
        %min3A_739 = arith.minimumf %max3A_677, %get3A_738 : vector<16xf32>
        %max3A_740 = arith.maximumf %max3A_676, %min3A_739 : vector<16xf32>
        %max3A_741 = arith.maximumf %max3A_677, %get3A_738 : vector<16xf32>
        %mul3A_742 = arith.constant 4 : i32
        %mul3A_743 = arith.muli %scan3A_606, %mul3A_742 : i32
        %add3A_744 = arith.constant 0 : i32
        %add3A_745 = arith.addi %add3A_744, %mul3A_743 : i32
        %add3A_746 = arith.constant 2 : i32
        %add3A_747 = arith.addi %add3A_745, %add3A_746 : i32
        %mul3A_748 = arith.constant 16 : i32
        %mul3A_749 = arith.muli %add3A_747, %mul3A_748 : i32
        %get3A_750 = arith.constant 0 : i32
        %get3A_751 = arith.index_cast %rem3A_396 : i32 to index
        %get3A_752 = arith.index_cast %get3A_750 : i32 to index
        %get3A_753 = arith.index_cast %mul3A_749 : i32 to index
        %get3A_754 = tpu.vector_load %arg10[%get3A_751, %get3A_752, %get3A_753] {strides = array<i32>} : memref<2x4x8192xf32, #tpu.memory_space<vmem>>, vector<16xf32>,
        %min3A_755 = arith.minimumf %max3A_693, %get3A_754 : vector<16xf32>
        %max3A_756 = arith.maximumf %max3A_692, %min3A_755 : vector<16xf32>
        %max3A_757 = arith.maximumf %max3A_693, %get3A_754 : vector<16xf32>
        %mul3A_758 = arith.constant 4 : i32
        %mul3A_759 = arith.muli %scan3A_606, %mul3A_758 : i32
        %add3A_760 = arith.constant 0 : i32
        %add3A_761 = arith.addi %add3A_760, %mul3A_759 : i32
        %add3A_762 = arith.constant 2 : i32
        %add3A_763 = arith.addi %add3A_761, %add3A_762 : i32
        %mul3A_764 = arith.constant 16 : i32
        %mul3A_765 = arith.muli %add3A_763, %mul3A_764 : i32
        %get3A_766 = arith.constant 1 : i32
        %get3A_767 = arith.index_cast %rem3A_396 : i32 to index
        %get3A_768 = arith.index_cast %get3A_766 : i32 to index
        %get3A_769 = arith.index_cast %mul3A_765 : i32 to index
        %get3A_770 = tpu.vector_load %arg10[%get3A_767, %get3A_768, %get3A_769] {strides = array<i32>} : memref<2x4x8192xf32, #tpu.memory_space<vmem>>, vector<16xf32>,
        %min3A_771 = arith.minimumf %max3A_709, %get3A_770 : vector<16xf32>
        %max3A_772 = arith.maximumf %max3A_708, %min3A_771 : vector<16xf32>
        %max3A_773 = arith.maximumf %max3A_709, %get3A_770 : vector<16xf32>
        %mul3A_774 = arith.constant 4 : i32
        %mul3A_775 = arith.muli %scan3A_606, %mul3A_774 : i32
        %add3A_776 = arith.constant 0 : i32
        %add3A_777 = arith.addi %add3A_776, %mul3A_775 : i32
        %add3A_778 = arith.constant 2 : i32
        %add3A_779 = arith.addi %add3A_777, %add3A_778 : i32
        %mul3A_780 = arith.constant 16 : i32
        %mul3A_781 = arith.muli %add3A_779, %mul3A_780 : i32
        %get3A_782 = arith.constant 2 : i32
        %get3A_783 = arith.index_cast %rem3A_396 : i32 to index
        %get3A_784 = arith.index_cast %get3A_782 : i32 to index
        %get3A_785 = arith.index_cast %mul3A_781 : i32 to index
        %get3A_786 = tpu.vector_load %arg10[%get3A_783, %get3A_784, %get3A_785] {strides = array<i32>} : memref<2x4x8192xf32, #tpu.memory_space<vmem>>, vector<16xf32>,
        %min3A_787 = arith.minimumf %max3A_725, %get3A_786 : vector<16xf32>
        %max3A_788 = arith.maximumf %max3A_724, %min3A_787 : vector<16xf32>
        %max3A_789 = arith.maximumf %max3A_725, %get3A_786 : vector<16xf32>
        %mul3A_790 = arith.constant 4 : i32
        %mul3A_791 = arith.muli %scan3A_606, %mul3A_790 : i32
        %add3A_792 = arith.constant 0 : i32
        %add3A_793 = arith.addi %add3A_792, %mul3A_791 : i32
        %add3A_794 = arith.constant 2 : i32
        %add3A_795 = arith.addi %add3A_793, %add3A_794 : i32
        %mul3A_796 = arith.constant 16 : i32
        %mul3A_797 = arith.muli %add3A_795, %mul3A_796 : i32
        %get3A_798 = arith.constant 3 : i32
        %get3A_799 = arith.index_cast %rem3A_396 : i32 to index
        %get3A_800 = arith.index_cast %get3A_798 : i32 to index
        %get3A_801 = arith.index_cast %mul3A_797 : i32 to index
        %get3A_802 = tpu.vector_load %arg10[%get3A_799, %get3A_800, %get3A_801] {strides = array<i32>} : memref<2x4x8192xf32, #tpu.memory_space<vmem>>, vector<16xf32>,
        %min3A_803 = arith.minimumf %max3A_741, %get3A_802 : vector<16xf32>
        %max3A_804 = arith.maximumf %max3A_740, %min3A_803 : vector<16xf32>
        %max3A_805 = arith.maximumf %max3A_741, %get3A_802 : vector<16xf32>
        %mul3A_806 = arith.constant 4 : i32
        %mul3A_807 = arith.muli %scan3A_606, %mul3A_806 : i32
        %add3A_808 = arith.constant 0 : i32
        %add3A_809 = arith.addi %add3A_808, %mul3A_807 : i32
        %add3A_810 = arith.constant 3 : i32
        %add3A_811 = arith.addi %add3A_809, %add3A_810 : i32
        %mul3A_812 = arith.constant 16 : i32
        %mul3A_813 = arith.muli %add3A_811, %mul3A_812 : i32
        %get3A_814 = arith.constant 0 : i32
        %get3A_815 = arith.index_cast %rem3A_396 : i32 to index
        %get3A_816 = arith.index_cast %get3A_814 : i32 to index
        %get3A_817 = arith.index_cast %mul3A_813 : i32 to index
        %get3A_818 = tpu.vector_load %arg10[%get3A_815, %get3A_816, %get3A_817] {strides = array<i32>} : memref<2x4x8192xf32, #tpu.memory_space<vmem>>, vector<16xf32>,
        %min3A_819 = arith.minimumf %max3A_757, %get3A_818 : vector<16xf32>
        %max3A_820 = arith.maximumf %max3A_756, %min3A_819 : vector<16xf32>
        %max3A_821 = arith.maximumf %max3A_757, %get3A_818 : vector<16xf32>
        %mul3A_822 = arith.constant 4 : i32
        %mul3A_823 = arith.muli %scan3A_606, %mul3A_822 : i32
        %add3A_824 = arith.constant 0 : i32
        %add3A_825 = arith.addi %add3A_824, %mul3A_823 : i32
        %add3A_826 = arith.constant 3 : i32
        %add3A_827 = arith.addi %add3A_825, %add3A_826 : i32
        %mul3A_828 = arith.constant 16 : i32
        %mul3A_829 = arith.muli %add3A_827, %mul3A_828 : i32
        %get3A_830 = arith.constant 1 : i32
        %get3A_831 = arith.index_cast %rem3A_396 : i32 to index
        %get3A_832 = arith.index_cast %get3A_830 : i32 to index
        %get3A_833 = arith.index_cast %mul3A_829 : i32 to index
        %get3A_834 = tpu.vector_load %arg10[%get3A_831, %get3A_832, %get3A_833] {strides = array<i32>} : memref<2x4x8192xf32, #tpu.memory_space<vmem>>, vector<16xf32>,
        %min3A_835 = arith.minimumf %max3A_773, %get3A_834 : vector<16xf32>
        %max3A_836 = arith.maximumf %max3A_772, %min3A_835 : vector<16xf32>
        %max3A_837 = arith.maximumf %max3A_773, %get3A_834 : vector<16xf32>
        %mul3A_838 = arith.constant 4 : i32
        %mul3A_839 = arith.muli %scan3A_606, %mul3A_838 : i32
        %add3A_840 = arith.constant 0 : i32
        %add3A_841 = arith.addi %add3A_840, %mul3A_839 : i32
        %add3A_842 = arith.constant 3 : i32
        %add3A_843 = arith.addi %add3A_841, %add3A_842 : i32
        %mul3A_844 = arith.constant 16 : i32
        %mul3A_845 = arith.muli %add3A_843, %mul3A_844 : i32
        %get3A_846 = arith.constant 2 : i32
        %get3A_847 = arith.index_cast %rem3A_396 : i32 to index
        %get3A_848 = arith.index_cast %get3A_846 : i32 to index
        %get3A_849 = arith.index_cast %mul3A_845 : i32 to index
        %get3A_850 = tpu.vector_load %arg10[%get3A_847, %get3A_848, %get3A_849] {strides = array<i32>} : memref<2x4x8192xf32, #tpu.memory_space<vmem>>, vector<16xf32>,
        %min3A_851 = arith.minimumf %max3A_789, %get3A_850 : vector<16xf32>
        %max3A_852 = arith.maximumf %max3A_788, %min3A_851 : vector<16xf32>
        %max3A_853 = arith.maximumf %max3A_789, %get3A_850 : vector<16xf32>
        %mul3A_854 = arith.constant 4 : i32
        %mul3A_855 = arith.muli %scan3A_606, %mul3A_854 : i32
        %add3A_856 = arith.constant 0 : i32
        %add3A_857 = arith.addi %add3A_856, %mul3A_855 : i32
        %add3A_858 = arith.constant 3 : i32
        %add3A_859 = arith.addi %add3A_857, %add3A_858 : i32
        %mul3A_860 = arith.constant 16 : i32
        %mul3A_861 = arith.muli %add3A_859, %mul3A_860 : i32
        %get3A_862 = arith.constant 3 : i32
        %get3A_863 = arith.index_cast %rem3A_396 : i32 to index
        %get3A_864 = arith.index_cast %get3A_862 : i32 to index
        %get3A_865 = arith.index_cast %mul3A_861 : i32 to index
        %get3A_866 = tpu.vector_load %arg10[%get3A_863, %get3A_864, %get3A_865] {strides = array<i32>} : memref<2x4x8192xf32, #tpu.memory_space<vmem>>, vector<16xf32>,
        %min3A_867 = arith.minimumf %max3A_805, %get3A_866 : vector<16xf32>
        %max3A_868 = arith.maximumf %max3A_804, %min3A_867 : vector<16xf32>
        %max3A_869 = arith.maximumf %max3A_805, %get3A_866 : vector<16xf32>
        scf.yield %max3A_821, %max3A_820, %max3A_837, %max3A_836, %max3A_853, %max3A_852, %max3A_869, %max3A_868 : vector<16xf32>, vector<16xf32>, vector<16xf32>, vector<16xf32>, vector<16xf32>, vector<16xf32>, vector<16xf32>, vector<16xf32>
      }
      %scan3A_425 = arith.constant 128 : i32
      %reduce_max3A_426 = arith.constant true
      %reduce_max3A_427 = vector.broadcast %reduce_max3A_426 : i1 to vector<16xi1>
      %reduce_max3A_428 = tpu.scan <max>, %scan3A_424#0 masked %reduce_max3A_427 : vector<16xf32>, vector<16xi1> -> vector<16xf32>
      %reduce_max3A_429 = vector.extract %reduce_max3A_428[15] : f32 from vector<16xf32>
      %broadcast_in_dim3A_430 = vector.broadcast %reduce_max3A_429 : f32 to vector<16xf32>
      %eq3A_431 = arith.cmpf oeq, %scan3A_424#0, %broadcast_in_dim3A_430 : vector<16xf32>
      %all_reduce_ffs3A_432 = tpu.all_reduce %eq3A_431 {dim = 0 : i64, kind = #tpu.reduction_kind<find_first_set>} : vector<16xi1> -> vector<16xi32>
      %eq3A_433 = arith.cmpi eq, %iota3A, %all_reduce_ffs3A_432 : vector<16xi32>
      %select_n3A_434 = arith.select %eq3A_433, %scan3A_424#1, %scan3A_424#0 : vector<16xi1>, vector<16xf32>
      %reduce_max3A_435 = arith.constant true
      %reduce_max3A_436 = vector.broadcast %reduce_max3A_435 : i1 to vector<16xi1>
      %reduce_max3A_437 = tpu.scan <max>, %select_n3A_434 masked %reduce_max3A_436 : vector<16xf32>, vector<16xi1> -> vector<16xf32>
      %reduce_max3A_438 = vector.extract %reduce_max3A_437[15] : f32 from vector<16xf32>
      %add3A_439 = arith.constant 0 : i32
      %add3A_440 = arith.addi %mul3A_2, %add3A_439 : i32
      %broadcast_in_dim3A_441 = vector.broadcast %add3A_440 : i32 to vector<16xi32>
      %gather3A_442 = tpu.vector_load_idx %arg11[%broadcast_in_dim3A_441] : memref<128xi32, #tpu.memory_space<vmem>>[vector<16xi32>], vector<16xi32>,
      %broadcast_in_dim3A_443 = vector.broadcast %rem3A_396 : i32 to vector<16xi32>
      %broadcast_in_dim3A_444 = arith.constant 0 : i32
      %broadcast_in_dim3A_445 = vector.broadcast %broadcast_in_dim3A_444 : i32 to vector<16xi32>
      %gather3A_446 = tpu.vector_load_idx %arg10[%broadcast_in_dim3A_443, %broadcast_in_dim3A_445, %gather3A_442] : memref<2x4x8192xf32, #tpu.memory_space<vmem>>[vector<16xi32>, vector<16xi32>, vector<16xi32>], vector<16xf32>,
      %reduce_max3A_447 = arith.constant true
      %reduce_max3A_448 = vector.broadcast %reduce_max3A_447 : i1 to vector<16xi1>
      %reduce_max3A_449 = tpu.scan <max>, %gather3A_446 masked %reduce_max3A_448 : vector<16xf32>, vector<16xi1> -> vector<16xf32>
      %reduce_max3A_450 = vector.extract %reduce_max3A_449[15] : f32 from vector<16xf32>
      %eq3A_451 = arith.cmpf oeq, %reduce_max3A_450, %reduce_max3A_429 : f32
      %sub3A_452 = arith.subf %reduce_max3A_429, %reduce_max3A_438 : f32
      %jit3A_453 = arith.constant 0.000000e+00 : f32
      %select_n3A_454 = arith.select %eq3A_451, %sub3A_452, %jit3A_453 : f32
      %eq3A_455 = vector.broadcast %scan3A_394 : i32 to vector<16xi32>
      %eq3A_456 = arith.cmpi eq, %iota3A, %eq3A_455 : vector<16xi32>
      %get3A_457 = arith.constant 0 : i32
      %get3A_458 = arith.index_cast %get3A_457 : i32 to index
      %get3A_459 = arith.constant 0 : index
      %get3A_460 = tpu.vector_load %arg12[%get3A_458, %get3A_459] {strides = array<i32>} : memref<4x16xf32, #tpu.memory_space<vmem>>, vector<16xf32>,
      %broadcast_in_dim3A_461 = vector.broadcast %select_n3A_454 : f32 to vector<16xf32>
      %select_n3A_462 = arith.select %eq3A_456, %broadcast_in_dim3A_461, %get3A_460 : vector<16xi1>, vector<16xf32>
      %swap3A_463 = arith.constant 0 : i32
      %swap3A_464 = arith.index_cast %swap3A_463 : i32 to index
      %swap3A_465 = arith.constant 0 : index
      %swap3A_466 = tpu.vector_load %arg12[%swap3A_464, %swap3A_465] {strides = array<i32>} : memref<4x16xf32, #tpu.memory_space<vmem>>, vector<16xf32>,
      tpu.vector_store %arg12[%swap3A_464, %swap3A_465], %select_n3A_462 {strides = array<i32>} : memref<4x16xf32, #tpu.memory_space<vmem>>, vector<16xf32>,
      %lt3A_467 = arith.constant 4 : i32
      %lt3A_468 = arith.cmpi slt, %scan3A_394, %lt3A_467 : i32
      %max3A_469 = arith.maximumf %scan3A_395, %reduce_max3A_429 : f32
      %select_n3A_470 = arith.select %lt3A_468, %max3A_469, %scan3A_395 : f32
      %reduce_max3A_471 = arith.constant true
      %reduce_max3A_472 = vector.broadcast %reduce_max3A_471 : i1 to vector<16xi1>
      %reduce_max3A_473 = tpu.scan <max>, %scan3A_424#2 masked %reduce_max3A_472 : vector<16xf32>, vector<16xi1> -> vector<16xf32>
      %reduce_max3A_474 = vector.extract %reduce_max3A_473[15] : f32 from vector<16xf32>
      %broadcast_in_dim3A_475 = vector.broadcast %reduce_max3A_474 : f32 to vector<16xf32>
      %eq3A_476 = arith.cmpf oeq, %scan3A_424#2, %broadcast_in_dim3A_475 : vector<16xf32>
      %all_reduce_ffs3A_477 = tpu.all_reduce %eq3A_476 {dim = 0 : i64, kind = #tpu.reduction_kind<find_first_set>} : vector<16xi1> -> vector<16xi32>
      %eq3A_478 = arith.cmpi eq, %iota3A, %all_reduce_ffs3A_477 : vector<16xi32>
      %select_n3A_479 = arith.select %eq3A_478, %scan3A_424#3, %scan3A_424#2 : vector<16xi1>, vector<16xf32>
      %reduce_max3A_480 = arith.constant true
      %reduce_max3A_481 = vector.broadcast %reduce_max3A_480 : i1 to vector<16xi1>
      %reduce_max3A_482 = tpu.scan <max>, %select_n3A_479 masked %reduce_max3A_481 : vector<16xf32>, vector<16xi1> -> vector<16xf32>
      %reduce_max3A_483 = vector.extract %reduce_max3A_482[15] : f32 from vector<16xf32>
      %add3A_484 = arith.constant 1 : i32
      %add3A_485 = arith.addi %mul3A_2, %add3A_484 : i32
      %broadcast_in_dim3A_486 = vector.broadcast %add3A_485 : i32 to vector<16xi32>
      %gather3A_487 = tpu.vector_load_idx %arg11[%broadcast_in_dim3A_486] : memref<128xi32, #tpu.memory_space<vmem>>[vector<16xi32>], vector<16xi32>,
      %broadcast_in_dim3A_488 = vector.broadcast %rem3A_396 : i32 to vector<16xi32>
      %broadcast_in_dim3A_489 = arith.constant 1 : i32
      %broadcast_in_dim3A_490 = vector.broadcast %broadcast_in_dim3A_489 : i32 to vector<16xi32>
      %gather3A_491 = tpu.vector_load_idx %arg10[%broadcast_in_dim3A_488, %broadcast_in_dim3A_490, %gather3A_487] : memref<2x4x8192xf32, #tpu.memory_space<vmem>>[vector<16xi32>, vector<16xi32>, vector<16xi32>], vector<16xf32>,
      %reduce_max3A_492 = arith.constant true
      %reduce_max3A_493 = vector.broadcast %reduce_max3A_492 : i1 to vector<16xi1>
      %reduce_max3A_494 = tpu.scan <max>, %gather3A_491 masked %reduce_max3A_493 : vector<16xf32>, vector<16xi1> -> vector<16xf32>
      %reduce_max3A_495 = vector.extract %reduce_max3A_494[15] : f32 from vector<16xf32>
      %eq3A_496 = arith.cmpf oeq, %reduce_max3A_495, %reduce_max3A_474 : f32
      %sub3A_497 = arith.subf %reduce_max3A_474, %reduce_max3A_483 : f32
      %jit3A_498 = arith.constant 0.000000e+00 : f32
      %select_n3A_499 = arith.select %eq3A_496, %sub3A_497, %jit3A_498 : f32
      %eq3A_500 = vector.broadcast %scan3A_394 : i32 to vector<16xi32>
      %eq3A_501 = arith.cmpi eq, %iota3A, %eq3A_500 : vector<16xi32>
      %get3A_502 = arith.constant 1 : i32
      %get3A_503 = arith.index_cast %get3A_502 : i32 to index
      %get3A_504 = arith.constant 0 : index
      %get3A_505 = tpu.vector_load %arg12[%get3A_503, %get3A_504] {strides = array<i32>} : memref<4x16xf32, #tpu.memory_space<vmem>>, vector<16xf32>,
      %broadcast_in_dim3A_506 = vector.broadcast %select_n3A_499 : f32 to vector<16xf32>
      %select_n3A_507 = arith.select %eq3A_501, %broadcast_in_dim3A_506, %get3A_505 : vector<16xi1>, vector<16xf32>
      %swap3A_508 = arith.constant 1 : i32
      %swap3A_509 = arith.index_cast %swap3A_508 : i32 to index
      %swap3A_510 = arith.constant 0 : index
      %swap3A_511 = tpu.vector_load %arg12[%swap3A_509, %swap3A_510] {strides = array<i32>} : memref<4x16xf32, #tpu.memory_space<vmem>>, vector<16xf32>,
      tpu.vector_store %arg12[%swap3A_509, %swap3A_510], %select_n3A_507 {strides = array<i32>} : memref<4x16xf32, #tpu.memory_space<vmem>>, vector<16xf32>,
      %lt3A_512 = arith.constant 4 : i32
      %lt3A_513 = arith.cmpi slt, %scan3A_394, %lt3A_512 : i32
      %max3A_514 = arith.maximumf %select_n3A_470, %reduce_max3A_474 : f32
      %select_n3A_515 = arith.select %lt3A_513, %max3A_514, %select_n3A_470 : f32
      %reduce_max3A_516 = arith.constant true
      %reduce_max3A_517 = vector.broadcast %reduce_max3A_516 : i1 to vector<16xi1>
      %reduce_max3A_518 = tpu.scan <max>, %scan3A_424#4 masked %reduce_max3A_517 : vector<16xf32>, vector<16xi1> -> vector<16xf32>
      %reduce_max3A_519 = vector.extract %reduce_max3A_518[15] : f32 from vector<16xf32>
      %broadcast_in_dim3A_520 = vector.broadcast %reduce_max3A_519 : f32 to vector<16xf32>
      %eq3A_521 = arith.cmpf oeq, %scan3A_424#4, %broadcast_in_dim3A_520 : vector<16xf32>
      %all_reduce_ffs3A_522 = tpu.all_reduce %eq3A_521 {dim = 0 : i64, kind = #tpu.reduction_kind<find_first_set>} : vector<16xi1> -> vector<16xi32>
      %eq3A_523 = arith.cmpi eq, %iota3A, %all_reduce_ffs3A_522 : vector<16xi32>
      %select_n3A_524 = arith.select %eq3A_523, %scan3A_424#5, %scan3A_424#4 : vector<16xi1>, vector<16xf32>
      %reduce_max3A_525 = arith.constant true
      %reduce_max3A_526 = vector.broadcast %reduce_max3A_525 : i1 to vector<16xi1>
      %reduce_max3A_527 = tpu.scan <max>, %select_n3A_524 masked %reduce_max3A_526 : vector<16xf32>, vector<16xi1> -> vector<16xf32>
      %reduce_max3A_528 = vector.extract %reduce_max3A_527[15] : f32 from vector<16xf32>
      %add3A_529 = arith.constant 2 : i32
      %add3A_530 = arith.addi %mul3A_2, %add3A_529 : i32
      %broadcast_in_dim3A_531 = vector.broadcast %add3A_530 : i32 to vector<16xi32>
      %gather3A_532 = tpu.vector_load_idx %arg11[%broadcast_in_dim3A_531] : memref<128xi32, #tpu.memory_space<vmem>>[vector<16xi32>], vector<16xi32>,
      %broadcast_in_dim3A_533 = vector.broadcast %rem3A_396 : i32 to vector<16xi32>
      %broadcast_in_dim3A_534 = arith.constant 2 : i32
      %broadcast_in_dim3A_535 = vector.broadcast %broadcast_in_dim3A_534 : i32 to vector<16xi32>
      %gather3A_536 = tpu.vector_load_idx %arg10[%broadcast_in_dim3A_533, %broadcast_in_dim3A_535, %gather3A_532] : memref<2x4x8192xf32, #tpu.memory_space<vmem>>[vector<16xi32>, vector<16xi32>, vector<16xi32>], vector<16xf32>,
      %reduce_max3A_537 = arith.constant true
      %reduce_max3A_538 = vector.broadcast %reduce_max3A_537 : i1 to vector<16xi1>
      %reduce_max3A_539 = tpu.scan <max>, %gather3A_536 masked %reduce_max3A_538 : vector<16xf32>, vector<16xi1> -> vector<16xf32>
      %reduce_max3A_540 = vector.extract %reduce_max3A_539[15] : f32 from vector<16xf32>
      %eq3A_541 = arith.cmpf oeq, %reduce_max3A_540, %reduce_max3A_519 : f32
      %sub3A_542 = arith.subf %reduce_max3A_519, %reduce_max3A_528 : f32
      %jit3A_543 = arith.constant 0.000000e+00 : f32
      %select_n3A_544 = arith.select %eq3A_541, %sub3A_542, %jit3A_543 : f32
      %eq3A_545 = vector.broadcast %scan3A_394 : i32 to vector<16xi32>
      %eq3A_546 = arith.cmpi eq, %iota3A, %eq3A_545 : vector<16xi32>
      %get3A_547 = arith.constant 2 : i32
      %get3A_548 = arith.index_cast %get3A_547 : i32 to index
      %get3A_549 = arith.constant 0 : index
      %get3A_550 = tpu.vector_load %arg12[%get3A_548, %get3A_549] {strides = array<i32>} : memref<4x16xf32, #tpu.memory_space<vmem>>, vector<16xf32>,
      %broadcast_in_dim3A_551 = vector.broadcast %select_n3A_544 : f32 to vector<16xf32>
      %select_n3A_552 = arith.select %eq3A_546, %broadcast_in_dim3A_551, %get3A_550 : vector<16xi1>, vector<16xf32>
      %swap3A_553 = arith.constant 2 : i32
      %swap3A_554 = arith.index_cast %swap3A_553 : i32 to index
      %swap3A_555 = arith.constant 0 : index
      %swap3A_556 = tpu.vector_load %arg12[%swap3A_554, %swap3A_555] {strides = array<i32>} : memref<4x16xf32, #tpu.memory_space<vmem>>, vector<16xf32>,
      tpu.vector_store %arg12[%swap3A_554, %swap3A_555], %select_n3A_552 {strides = array<i32>} : memref<4x16xf32, #tpu.memory_space<vmem>>, vector<16xf32>,
      %lt3A_557 = arith.constant 4 : i32
      %lt3A_558 = arith.cmpi slt, %scan3A_394, %lt3A_557 : i32
      %max3A_559 = arith.maximumf %select_n3A_515, %reduce_max3A_519 : f32
      %select_n3A_560 = arith.select %lt3A_558, %max3A_559, %select_n3A_515 : f32
      %reduce_max3A_561 = arith.constant true
      %reduce_max3A_562 = vector.broadcast %reduce_max3A_561 : i1 to vector<16xi1>
      %reduce_max3A_563 = tpu.scan <max>, %scan3A_424#6 masked %reduce_max3A_562 : vector<16xf32>, vector<16xi1> -> vector<16xf32>
      %reduce_max3A_564 = vector.extract %reduce_max3A_563[15] : f32 from vector<16xf32>
      %broadcast_in_dim3A_565 = vector.broadcast %reduce_max3A_564 : f32 to vector<16xf32>
      %eq3A_566 = arith.cmpf oeq, %scan3A_424#6, %broadcast_in_dim3A_565 : vector<16xf32>
      %all_reduce_ffs3A_567 = tpu.all_reduce %eq3A_566 {dim = 0 : i64, kind = #tpu.reduction_kind<find_first_set>} : vector<16xi1> -> vector<16xi32>
      %eq3A_568 = arith.cmpi eq, %iota3A, %all_reduce_ffs3A_567 : vector<16xi32>
      %select_n3A_569 = arith.select %eq3A_568, %scan3A_424#7, %scan3A_424#6 : vector<16xi1>, vector<16xf32>
      %reduce_max3A_570 = arith.constant true
      %reduce_max3A_571 = vector.broadcast %reduce_max3A_570 : i1 to vector<16xi1>
      %reduce_max3A_572 = tpu.scan <max>, %select_n3A_569 masked %reduce_max3A_571 : vector<16xf32>, vector<16xi1> -> vector<16xf32>
      %reduce_max3A_573 = vector.extract %reduce_max3A_572[15] : f32 from vector<16xf32>
      %add3A_574 = arith.constant 3 : i32
      %add3A_575 = arith.addi %mul3A_2, %add3A_574 : i32
      %broadcast_in_dim3A_576 = vector.broadcast %add3A_575 : i32 to vector<16xi32>
      %gather3A_577 = tpu.vector_load_idx %arg11[%broadcast_in_dim3A_576] : memref<128xi32, #tpu.memory_space<vmem>>[vector<16xi32>], vector<16xi32>,
      %broadcast_in_dim3A_578 = vector.broadcast %rem3A_396 : i32 to vector<16xi32>
      %broadcast_in_dim3A_579 = arith.constant 3 : i32
      %broadcast_in_dim3A_580 = vector.broadcast %broadcast_in_dim3A_579 : i32 to vector<16xi32>
      %gather3A_581 = tpu.vector_load_idx %arg10[%broadcast_in_dim3A_578, %broadcast_in_dim3A_580, %gather3A_577] : memref<2x4x8192xf32, #tpu.memory_space<vmem>>[vector<16xi32>, vector<16xi32>, vector<16xi32>], vector<16xf32>,
      %reduce_max3A_582 = arith.constant true
      %reduce_max3A_583 = vector.broadcast %reduce_max3A_582 : i1 to vector<16xi1>
      %reduce_max3A_584 = tpu.scan <max>, %gather3A_581 masked %reduce_max3A_583 : vector<16xf32>, vector<16xi1> -> vector<16xf32>
      %reduce_max3A_585 = vector.extract %reduce_max3A_584[15] : f32 from vector<16xf32>
      %eq3A_586 = arith.cmpf oeq, %reduce_max3A_585, %reduce_max3A_564 : f32
      %sub3A_587 = arith.subf %reduce_max3A_564, %reduce_max3A_573 : f32
      %jit3A_588 = arith.constant 0.000000e+00 : f32
      %select_n3A_589 = arith.select %eq3A_586, %sub3A_587, %jit3A_588 : f32
      %eq3A_590 = vector.broadcast %scan3A_394 : i32 to vector<16xi32>
      %eq3A_591 = arith.cmpi eq, %iota3A, %eq3A_590 : vector<16xi32>
      %get3A_592 = arith.constant 3 : i32
      %get3A_593 = arith.index_cast %get3A_592 : i32 to index
      %get3A_594 = arith.constant 0 : index
      %get3A_595 = tpu.vector_load %arg12[%get3A_593, %get3A_594] {strides = array<i32>} : memref<4x16xf32, #tpu.memory_space<vmem>>, vector<16xf32>,
      %broadcast_in_dim3A_596 = vector.broadcast %select_n3A_589 : f32 to vector<16xf32>
      %select_n3A_597 = arith.select %eq3A_591, %broadcast_in_dim3A_596, %get3A_595 : vector<16xi1>, vector<16xf32>
      %swap3A_598 = arith.constant 3 : i32
      %swap3A_599 = arith.index_cast %swap3A_598 : i32 to index
      %swap3A_600 = arith.constant 0 : index
      %swap3A_601 = tpu.vector_load %arg12[%swap3A_599, %swap3A_600] {strides = array<i32>} : memref<4x16xf32, #tpu.memory_space<vmem>>, vector<16xf32>,
      tpu.vector_store %arg12[%swap3A_599, %swap3A_600], %select_n3A_597 {strides = array<i32>} : memref<4x16xf32, #tpu.memory_space<vmem>>, vector<16xf32>,
      %lt3A_602 = arith.constant 4 : i32
      %lt3A_603 = arith.cmpi slt, %scan3A_394, %lt3A_602 : i32
      %max3A_604 = arith.maximumf %select_n3A_560, %reduce_max3A_564 : f32
      %select_n3A_605 = arith.select %lt3A_603, %max3A_604, %select_n3A_560 : f32
      scf.yield %select_n3A_605 : f32
    }
    %scan3A_284 = arith.constant 4 : i32
    %lt3A_285 = arith.constant 5 : i32
    %lt3A_286 = vector.broadcast %lt3A_285 : i32 to vector<16xi32>
    %lt3A_287 = arith.cmpi slt, %iota3A, %lt3A_286 : vector<16xi32>
    %get3A_288 = arith.constant 0 : i32
    %get3A_289 = arith.index_cast %get3A_288 : i32 to index
    %get3A_290 = arith.constant 0 : index
    %get3A_291 = tpu.vector_load %arg12[%get3A_289, %get3A_290] {strides = array<i32>} : memref<4x16xf32, #tpu.memory_space<vmem>>, vector<16xf32>,
    %select_n3A_292 = arith.select %lt3A_287, %get3A_291, %broadcast_in_dim3A_5 : vector<16xi1>, vector<16xf32>
    %reduce_max3A_293 = arith.constant true
    %reduce_max3A_294 = vector.broadcast %reduce_max3A_293 : i1 to vector<16xi1>
    %reduce_max3A_295 = tpu.scan <max>, %select_n3A_292 masked %reduce_max3A_294 : vector<16xf32>, vector<16xi1> -> vector<16xf32>
    %reduce_max3A_296 = vector.extract %reduce_max3A_295[15] : f32 from vector<16xf32>
    %sub3A_297 = vector.broadcast %reduce_max3A_296 : f32 to vector<16xf32>
    %sub3A_298 = arith.subf %get3A_291, %sub3A_297 : vector<16xf32>
    %mul3A_299 = arith.constant 5.000000e-01 : f32
    %mul3A_300 = vector.broadcast %mul3A_299 : f32 to vector<16xf32>
    %mul3A_301 = arith.mulf %sub3A_298, %mul3A_300 : vector<16xf32>
    %exp3A = math.exp %mul3A_301 : vector<16xf32>
    %select_n3A_302 = arith.select %lt3A_287, %exp3A, %broadcast_in_dim3A_3 : vector<16xi1>, vector<16xf32>
    %reduce_sum3A = arith.constant true
    %reduce_sum3A_303 = vector.broadcast %reduce_sum3A : i1 to vector<16xi1>
    %reduce_sum3A_304 = tpu.scan <sum>, %select_n3A_302 masked %reduce_sum3A_303 : vector<16xf32>, vector<16xi1> -> vector<16xf32>
    %reduce_sum3A_305 = vector.extract %reduce_sum3A_304[15] : f32 from vector<16xf32>
    %broadcast_in_dim3A_306 = vector.broadcast %reduce_sum3A_305 : f32 to vector<16xf32>
    %div3A = arith.divf %select_n3A_302, %broadcast_in_dim3A_306 : vector<16xf32>
    %swap3A_307 = arith.constant 0 : i32
    %swap3A_308 = arith.index_cast %swap3A_307 : i32 to index
    %swap3A_309 = arith.constant 0 : index
    %swap3A_310 = tpu.vector_load %arg13[%swap3A_308, %swap3A_309] {strides = array<i32>} : memref<4x16xf32, #tpu.memory_space<vmem>>, vector<16xf32>,
    tpu.vector_store %arg13[%swap3A_308, %swap3A_309], %div3A {strides = array<i32>} : memref<4x16xf32, #tpu.memory_space<vmem>>, vector<16xf32>,
    %get3A_311 = arith.constant 1 : i32
    %get3A_312 = arith.index_cast %get3A_311 : i32 to index
    %get3A_313 = arith.constant 0 : index
    %get3A_314 = tpu.vector_load %arg12[%get3A_312, %get3A_313] {strides = array<i32>} : memref<4x16xf32, #tpu.memory_space<vmem>>, vector<16xf32>,
    %select_n3A_315 = arith.select %lt3A_287, %get3A_314, %broadcast_in_dim3A_5 : vector<16xi1>, vector<16xf32>
    %reduce_max3A_316 = arith.constant true
    %reduce_max3A_317 = vector.broadcast %reduce_max3A_316 : i1 to vector<16xi1>
    %reduce_max3A_318 = tpu.scan <max>, %select_n3A_315 masked %reduce_max3A_317 : vector<16xf32>, vector<16xi1> -> vector<16xf32>
    %reduce_max3A_319 = vector.extract %reduce_max3A_318[15] : f32 from vector<16xf32>
    %sub3A_320 = vector.broadcast %reduce_max3A_319 : f32 to vector<16xf32>
    %sub3A_321 = arith.subf %get3A_314, %sub3A_320 : vector<16xf32>
    %mul3A_322 = arith.constant 5.000000e-01 : f32
    %mul3A_323 = vector.broadcast %mul3A_322 : f32 to vector<16xf32>
    %mul3A_324 = arith.mulf %sub3A_321, %mul3A_323 : vector<16xf32>
    %exp3A_325 = math.exp %mul3A_324 : vector<16xf32>
    %select_n3A_326 = arith.select %lt3A_287, %exp3A_325, %broadcast_in_dim3A_3 : vector<16xi1>, vector<16xf32>
    %reduce_sum3A_327 = arith.constant true
    %reduce_sum3A_328 = vector.broadcast %reduce_sum3A_327 : i1 to vector<16xi1>
    %reduce_sum3A_329 = tpu.scan <sum>, %select_n3A_326 masked %reduce_sum3A_328 : vector<16xf32>, vector<16xi1> -> vector<16xf32>
    %reduce_sum3A_330 = vector.extract %reduce_sum3A_329[15] : f32 from vector<16xf32>
    %broadcast_in_dim3A_331 = vector.broadcast %reduce_sum3A_330 : f32 to vector<16xf32>
    %div3A_332 = arith.divf %select_n3A_326, %broadcast_in_dim3A_331 : vector<16xf32>
    %swap3A_333 = arith.constant 1 : i32
    %swap3A_334 = arith.index_cast %swap3A_333 : i32 to index
    %swap3A_335 = arith.constant 0 : index
    %swap3A_336 = tpu.vector_load %arg13[%swap3A_334, %swap3A_335] {strides = array<i32>} : memref<4x16xf32, #tpu.memory_space<vmem>>, vector<16xf32>,
    tpu.vector_store %arg13[%swap3A_334, %swap3A_335], %div3A_332 {strides = array<i32>} : memref<4x16xf32, #tpu.memory_space<vmem>>, vector<16xf32>,
    %get3A_337 = arith.constant 2 : i32
    %get3A_338 = arith.index_cast %get3A_337 : i32 to index
    %get3A_339 = arith.constant 0 : index
    %get3A_340 = tpu.vector_load %arg12[%get3A_338, %get3A_339] {strides = array<i32>} : memref<4x16xf32, #tpu.memory_space<vmem>>, vector<16xf32>,
    %select_n3A_341 = arith.select %lt3A_287, %get3A_340, %broadcast_in_dim3A_5 : vector<16xi1>, vector<16xf32>
    %reduce_max3A_342 = arith.constant true
    %reduce_max3A_343 = vector.broadcast %reduce_max3A_342 : i1 to vector<16xi1>
    %reduce_max3A_344 = tpu.scan <max>, %select_n3A_341 masked %reduce_max3A_343 : vector<16xf32>, vector<16xi1> -> vector<16xf32>
    %reduce_max3A_345 = vector.extract %reduce_max3A_344[15] : f32 from vector<16xf32>
    %sub3A_346 = vector.broadcast %reduce_max3A_345 : f32 to vector<16xf32>
    %sub3A_347 = arith.subf %get3A_340, %sub3A_346 : vector<16xf32>
    %mul3A_348 = arith.constant 5.000000e-01 : f32
    %mul3A_349 = vector.broadcast %mul3A_348 : f32 to vector<16xf32>
    %mul3A_350 = arith.mulf %sub3A_347, %mul3A_349 : vector<16xf32>
    %exp3A_351 = math.exp %mul3A_350 : vector<16xf32>
    %select_n3A_352 = arith.select %lt3A_287, %exp3A_351, %broadcast_in_dim3A_3 : vector<16xi1>, vector<16xf32>
    %reduce_sum3A_353 = arith.constant true
    %reduce_sum3A_354 = vector.broadcast %reduce_sum3A_353 : i1 to vector<16xi1>
    %reduce_sum3A_355 = tpu.scan <sum>, %select_n3A_352 masked %reduce_sum3A_354 : vector<16xf32>, vector<16xi1> -> vector<16xf32>
    %reduce_sum3A_356 = vector.extract %reduce_sum3A_355[15] : f32 from vector<16xf32>
    %broadcast_in_dim3A_357 = vector.broadcast %reduce_sum3A_356 : f32 to vector<16xf32>
    %div3A_358 = arith.divf %select_n3A_352, %broadcast_in_dim3A_357 : vector<16xf32>
    %swap3A_359 = arith.constant 2 : i32
    %swap3A_360 = arith.index_cast %swap3A_359 : i32 to index
    %swap3A_361 = arith.constant 0 : index
    %swap3A_362 = tpu.vector_load %arg13[%swap3A_360, %swap3A_361] {strides = array<i32>} : memref<4x16xf32, #tpu.memory_space<vmem>>, vector<16xf32>,
    tpu.vector_store %arg13[%swap3A_360, %swap3A_361], %div3A_358 {strides = array<i32>} : memref<4x16xf32, #tpu.memory_space<vmem>>, vector<16xf32>,
    %get3A_363 = arith.constant 3 : i32
    %get3A_364 = arith.index_cast %get3A_363 : i32 to index
    %get3A_365 = arith.constant 0 : index
    %get3A_366 = tpu.vector_load %arg12[%get3A_364, %get3A_365] {strides = array<i32>} : memref<4x16xf32, #tpu.memory_space<vmem>>, vector<16xf32>,
    %select_n3A_367 = arith.select %lt3A_287, %get3A_366, %broadcast_in_dim3A_5 : vector<16xi1>, vector<16xf32>
    %reduce_max3A_368 = arith.constant true
    %reduce_max3A_369 = vector.broadcast %reduce_max3A_368 : i1 to vector<16xi1>
    %reduce_max3A_370 = tpu.scan <max>, %select_n3A_367 masked %reduce_max3A_369 : vector<16xf32>, vector<16xi1> -> vector<16xf32>
    %reduce_max3A_371 = vector.extract %reduce_max3A_370[15] : f32 from vector<16xf32>
    %sub3A_372 = vector.broadcast %reduce_max3A_371 : f32 to vector<16xf32>
    %sub3A_373 = arith.subf %get3A_366, %sub3A_372 : vector<16xf32>
    %mul3A_374 = arith.constant 5.000000e-01 : f32
    %mul3A_375 = vector.broadcast %mul3A_374 : f32 to vector<16xf32>
    %mul3A_376 = arith.mulf %sub3A_373, %mul3A_375 : vector<16xf32>
    %exp3A_377 = math.exp %mul3A_376 : vector<16xf32>
    %select_n3A_378 = arith.select %lt3A_287, %exp3A_377, %broadcast_in_dim3A_3 : vector<16xi1>, vector<16xf32>
    %reduce_sum3A_379 = arith.constant true
    %reduce_sum3A_380 = vector.broadcast %reduce_sum3A_379 : i1 to vector<16xi1>
    %reduce_sum3A_381 = tpu.scan <sum>, %select_n3A_378 masked %reduce_sum3A_380 : vector<16xf32>, vector<16xi1> -> vector<16xf32>
    %reduce_sum3A_382 = vector.extract %reduce_sum3A_381[15] : f32 from vector<16xf32>
    %broadcast_in_dim3A_383 = vector.broadcast %reduce_sum3A_382 : f32 to vector<16xf32>
    %div3A_384 = arith.divf %select_n3A_378, %broadcast_in_dim3A_383 : vector<16xf32>
    %swap3A_385 = arith.constant 3 : i32
    %swap3A_386 = arith.index_cast %swap3A_385 : i32 to index
    %swap3A_387 = arith.constant 0 : index
    %swap3A_388 = tpu.vector_load %arg13[%swap3A_386, %swap3A_387] {strides = array<i32>} : memref<4x16xf32, #tpu.memory_space<vmem>>, vector<16xf32>,
    tpu.vector_store %arg13[%swap3A_386, %swap3A_387], %div3A_384 {strides = array<i32>} : memref<4x16xf32, #tpu.memory_space<vmem>>, vector<16xf32>,
    %broadcast_in_dim3A_389 = vector.broadcast %scan3A_283 : f32 to vector<16xf32>
    %swap3A_390 = arith.constant 0 : i32
    %swap3A_391 = arith.index_cast %swap3A_390 : i32 to index
    %swap3A_392 = arith.constant 0 : index
    %swap3A_393 = tpu.vector_load %arg14[%swap3A_391, %swap3A_392] {strides = array<i32>} : memref<1x16xf32, #tpu.memory_space<vmem>>, vector<16xf32>,
    tpu.vector_store %arg14[%swap3A_391, %swap3A_392], %broadcast_in_dim3A_389 {strides = array<i32>} : memref<1x16xf32, #tpu.memory_space<vmem>>, vector<16xf32>,
    "tpu.region"() ({
      %run_scoped3A = tpu.sem_alloc : memref<!tpu.dma_semaphore, #tpu.memory_space<semaphore_mem>>
      %dma_start3A_394 = arith.constant 0 : i32
      %dma_start3A_395 = tpu.memref_slice %arg8[%mul3A_2, %dma_start3A_394] : memref<128x16xf32, #tpu.memory_space<hbm>> -> memref<4x16xf32, #tpu.memory_space<hbm>>
      %dma_start3A_396 = arith.constant 0 : i32
      %dma_start3A_397 = tpu.memref_slice %arg8[%mul3A_2, %dma_start3A_396] : memref<128x16xf32, #tpu.memory_space<hbm>> -> memref<4x16xf32, #tpu.memory_space<hbm>>
      tpu.enqueue_dma source(%arg13 : memref<4x16xf32, #tpu.memory_space<vmem>>) target(%dma_start3A_397 : memref<4x16xf32, #tpu.memory_space<hbm>>) target_semaphore(%run_scoped3A : memref<!tpu.dma_semaphore, #tpu.memory_space<semaphore_mem>>)
      %dma_wait3A_398 = arith.constant 0 : i32
      %dma_wait3A_399 = tpu.memref_slice %arg8[%mul3A_2, %dma_wait3A_398] : memref<128x16xf32, #tpu.memory_space<hbm>> -> memref<4x16xf32, #tpu.memory_space<hbm>>
      %dma_wait3A_400 = arith.constant 0 : i32
      %dma_wait3A_401 = tpu.memref_slice %arg8[%mul3A_2, %dma_wait3A_400] : memref<128x16xf32, #tpu.memory_space<hbm>> -> memref<4x16xf32, #tpu.memory_space<hbm>>
      tpu.wait_dma2 semaphore(%run_scoped3A : memref<!tpu.dma_semaphore, #tpu.memory_space<semaphore_mem>>) src(%arg13 : memref<4x16xf32, #tpu.memory_space<vmem>>) dst(%dma_wait3A_401 : memref<4x16xf32, #tpu.memory_space<hbm>>)
      tpu.yield
    }) : () -> ()
    "tpu.region"() ({
      %run_scoped3A = tpu.sem_alloc : memref<!tpu.dma_semaphore, #tpu.memory_space<semaphore_mem>>
      %dma_start3A_394 = arith.constant 0 : i32
      %dma_start3A_395 = tpu.memref_slice %arg9[%add3A, %dma_start3A_394] : memref<32x16xf32, #tpu.memory_space<hbm>> -> memref<1x16xf32, #tpu.memory_space<hbm>>
      %dma_start3A_396 = arith.constant 0 : i32
      %dma_start3A_397 = tpu.memref_slice %arg9[%add3A, %dma_start3A_396] : memref<32x16xf32, #tpu.memory_space<hbm>> -> memref<1x16xf32, #tpu.memory_space<hbm>>
      tpu.enqueue_dma source(%arg14 : memref<1x16xf32, #tpu.memory_space<vmem>>) target(%dma_start3A_397 : memref<1x16xf32, #tpu.memory_space<hbm>>) target_semaphore(%run_scoped3A : memref<!tpu.dma_semaphore, #tpu.memory_space<semaphore_mem>>)
      %dma_wait3A_398 = arith.constant 0 : i32
      %dma_wait3A_399 = tpu.memref_slice %arg9[%add3A, %dma_wait3A_398] : memref<32x16xf32, #tpu.memory_space<hbm>> -> memref<1x16xf32, #tpu.memory_space<hbm>>
      %dma_wait3A_400 = arith.constant 0 : i32
      %dma_wait3A_401 = tpu.memref_slice %arg9[%add3A, %dma_wait3A_400] : memref<32x16xf32, #tpu.memory_space<hbm>> -> memref<1x16xf32, #tpu.memory_space<hbm>>
      tpu.wait_dma2 semaphore(%run_scoped3A : memref<!tpu.dma_semaphore, #tpu.memory_space<semaphore_mem>>) src(%arg14 : memref<1x16xf32, #tpu.memory_space<vmem>>) dst(%dma_wait3A_401 : memref<1x16xf32, #tpu.memory_space<hbm>>)
      tpu.yield
    }) : () -> ()
    return
  }
}

</mosaic_0001>

<sc_bundles>
// kernel: _sc_call.3.cloned.1.call-start
scs
__scs_entry_jumppad:
0x0: {  	(pc) =	sbr.rel $0x88, $3  }
0x1: {  	(tag) =	ssettag $0x0;
	lr =	simm.s32 $0x1  }
0x2: {  	[smem:$0x3F9B] =	sst lr;
	_ =	strace $0xD0000000  }
0x3: {  	_ = 	snop  }
0x4: {  	_ = 	snop  }
0x5: {  	_ = 	snop  }
0x6: {  	_ = 	snop  }
0x7: {  	_ = 	snop  }
__scs_overlays_trampoline_lowered:
0x8: {  	[smem:$0x3FAA] =	sst s0  }
0x9: {  	[smem:$0x3FAB] =	sst s1  }
0xa: {  	[smem:$0x3FAC] =	sst s2  }
0xb: {  	[smem:$0x3FAD] =	sst s3  }
0xc: {  	[smem:$0x3FAE] =	sst s4  }
0xd: {  	[smem:$0x3FAF] =	sst s5  }
0xe: {  	[smem:$0x3FB0] =	sst s6  }
0xf: {  	[smem:$0x3FB1] =	sst s7  }
0x10: {  	[smem:$0x3FB2] =	sst s8  }
0x11: {  	[smem:$0x3FB3] =	sst s9;
	s0 =	simm.s32 @!p0 $0x0  }
0x12: {  	s1 =	sld [smem:$0x3F99];
	s0 =	simm.s32 @p0 $0x1  }
0x13: {  	[smem:$0x3FB4] =	sst s0;
	s0 =	simm.s32 @!p1 $0x0  }
0x14: {  	s2 =	sld [smem:$0x3F98];
	s0 =	simm.s32 @p1 $0x1  }
0x15: {  	[smem:$0x3FB5] =	sst s0;
	s0 =	simm.s32 @!p2 $0x0  }
0x16: {  	s3 =	sld [smem:$0x3FDB];
	s0 =	simm.s32 @p2 $0x1  }
0x17: {  	s4 =	simm.s32 $0x1BF5;
	[smem:$0x3FB7] =	sst s0  }
0x18: {  	s0 =	sld [smem:$0x3F9A];
	_ =	swait.ge [sflag:s4], $0x0  }
0x19: {  	s7 =	sld [smem:$0x3F9B]  }
0x1a: {  	s8 =	sadd.s32 $0xFFFFE003, lr  }
0x1b: {  	s9 =	sadd.s32 $0xFFFFFEF7, lr;
	s5 =	simm.s32 $0xFFFFFFFF;
	p2 =	slt.u32 s8, $0xFFFFF086  }
0x1c: {  	p1 =	slt.u32 s9, $0xF7A;
	s5 =	simm.s32 @!p2 $0x0  }
0x1d: {  	s5 =	simm.s32 @p1 $0x1;
	p0 =	seq.s32 s7, s2  }
0x1e: {  	s7 =	smul.u32 @!p0 $0xF7A, s2;
	p2 =	seq.s32 @!p0 s5, $0x0  }
0x1f: {  	s9 =	smul.u32 $0xF7A, s1;
	s8 =	simm.s32 @!p0 $0x1BF5;
	p2 =	por !p2, p0  }
0x20: {  	[sflag:s8] =	ssyncset.s32 @!p0 $0xFFFFF086;
	s6 =	sadd.s32 @!p0 s3, s7;
	s7 =	simm.s32 @!p0 $0x108  }
0x21: {  	s3 =	sadd.s32 s3, s9;
	s6 =	sadd.s32 @!p0 $0x88, s6;
	s7 =	simm.s32 @p2 $0x1082  }
0x22: {  	[simem:s7], [sflag:s8] =	dma.local @!p0 [hbm:s6], $0xF7A  }
0x23: {  	s9 =	sor.u32 $0xD0000000, s2;
	s6 =	simm.s32 $0x108;
	_ =	swait.ge @!p0 [sflag:s8], $0x0  }
0x24: {  	s3 =	sadd.s32 $0x88, s3;
	s6 =	simm.s32 @!p1 $0x1082;
	[sflag:s4] =	ssyncset.s32 $0xFFFFF086  }
0x25: {  	[simem:s6], [sflag:s4] =	dma.local [hbm:s3], $0xF7A  }
0x26: {  	[smem:$0x3F9B] =	sst s1;
	(tag) =	ssettag s2;
	_ =	strace s9  }
0x27: {  	s1 =	sld [smem:$0x3FAB]  }
0x28: {  	s2 =	sld [smem:$0x3FAC]  }
0x29: {  	s4 =	sld [smem:$0x3FAE]  }
0x2a: {  	p0 =	seq.s32 s5, $0x0;
	s5 =	sld [smem:$0x3FAF]  }
0x2b: {  	s6 =	sld [smem:$0x3FB0]  }
0x2c: {  	s7 =	sld [smem:$0x3FB1]  }
0x2d: {  	s3 =	simm.s32 $0x108;
	s8 =	sld [smem:$0x3FB2]  }
0x2e: {  	s3 =	simm.s32 @!p0 $0x1082;
	s9 =	sld [smem:$0x3FB3]  }
0x2f: {  	lr =	sadd.s32 s0, s3;
	s0 =	sld [smem:$0x3FAA]  }
0x30: {  	s3 =	sld [smem:$0x3FAD]  }
0x31: {  	[smem:$0x3FB6] =	sst s10  }
0x32: {  	s10 =	sld [smem:$0x3FB4];
	_ =	sdelay $0x3  }
0x33: {  	p0 =	seq.s32 s10, $0x1;
	s10 =	sld [smem:$0x3FB6];
	_ =	sdelay $0x3  }
0x34: {  	[smem:$0x3FB6] =	sst s10  }
0x35: {  	s10 =	sld [smem:$0x3FB5];
	_ =	sdelay $0x3  }
0x36: {  	p1 =	seq.s32 s10, $0x1;
	s10 =	sld [smem:$0x3FB6];
	_ =	sdelay $0x3  }
0x37: {  	[smem:$0x3FB6] =	sst s10  }
0x38: {  	s10 =	sld [smem:$0x3FB7]  }
0x39: {  	_ = 	snop;
	(pc) =	sbr.ind lr, $3  }
0x3a: {  	_ = 	snop  }
0x3b: {  	_ = 	snop  }
0x3c: {  	p2 =	seq.s32 s10, $0x1;
	s10 =	sld [smem:$0x3FB6]  }
0x3d: {  	_ =	shalt  }
0x3e: {  	_ =	shalt  }
0x3f: {  	_ =	shalt  }
0x40: {  	_ =	shalt  }
0x41: {  	_ =	shalt  }
0x42: {  	_ =	shalt  }
0x43: {  	_ =	shalt  }
0x44: {  	_ =	shalt  }
0x45: {  	_ =	shalt  }
0x46: {  	_ =	shalt  }
0x47: {  	_ =	shalt  }
0x48: {  	_ =	shalt  }
0x49: {  	_ =	shalt  }
0x4a: {  	_ =	shalt  }
0x4b: {  	_ =	shalt  }
0x4c: {  	_ =	shalt  }
0x4d: {  	_ =	shalt  }
0x4e: {  	_ =	shalt  }
0x4f: {  	_ =	shalt  }
0x50: {  	_ =	shalt  }
0x51: {  	_ =	shalt  }
0x52: {  	_ =	shalt  }
0x53: {  	_ =	shalt  }
0x54: {  	_ =	shalt  }
0x55: {  	_ =	shalt  }
0x56: {  	_ =	shalt  }
0x57: {  	_ =	shalt  }
0x58: {  	_ =	shalt  }
0x59: {  	_ =	shalt  }
0x5a: {  	_ =	shalt  }
0x5b: {  	_ =	shalt  }
0x5c: {  	_ =	shalt  }
0x5d: {  	_ =	shalt  }
0x5e: {  	_ =	shalt  }
0x5f: {  	_ =	shalt  }
0x60: {  	_ =	shalt  }
0x61: {  	_ =	shalt  }
0x62: {  	_ =	shalt  }
0x63: {  	_ =	shalt  }
0x64: {  	_ =	shalt  }
0x65: {  	_ =	shalt  }
0x66: {  	_ =	shalt  }
0x67: {  	_ =	shalt  }
0x68: {  	_ =	shalt  }
0x69: {  	_ =	shalt  }
0x6a: {  	_ =	shalt  }
0x6b: {  	_ =	shalt  }
0x6c: {  	_ =	shalt  }
0x6d: {  	_ =	shalt  }
0x6e: {  	_ =	shalt  }
0x6f: {  	_ =	shalt  }
0x70: {  	_ =	shalt  }
0x71: {  	_ =	shalt  }
0x72: {  	_ =	shalt  }
0x73: {  	_ =	shalt  }
0x74: {  	_ =	shalt  }
0x75: {  	_ =	shalt  }
0x76: {  	_ =	shalt  }
0x77: {  	_ =	shalt  }
0x78: {  	_ =	shalt  }
0x79: {  	_ =	shalt  }
0x7a: {  	_ =	shalt  }
0x7b: {  	_ =	shalt  }
0x7c: {  	_ =	shalt  }
0x7d: {  	_ =	shalt  }
0x7e: {  	_ =	shalt  }
0x7f: {  	_ =	shalt  }
0x80: {  	_ =	shalt  }
0x81: {  	_ =	shalt  }
0x82: {  	_ =	shalt  }
0x83: {  	_ =	shalt  }
0x84: {  	_ =	shalt  }
0x85: {  	_ =	shalt  }
0x86: {  	_ =	shalt  }
0x87: {  	_ =	shalt  }
.Lfunc_end0:
.L_simem_size_0:
called_computation_lowered:
.L_overlay_start_0:
0x88: {  	s2 =	sld [smem:$0x3FD9]  }
0x89: {  	s3 =	sld [smem:$0x3FFE];
	_ =	sdelay $0x1  }
0x8a: {  	s1 =	srdreg.scid  }
0x8b: {  	s0 =	sand.u32 $0x1, s1  }
0x8c: {  	s17 =	sshll.u32 s0, $0xA;
	s2 =	sadd.s32 s3, s2  }
0x8d: {  	s2 =	sadd.s32 s2, s17  }
0x8e: {  	[smem:$0x3FC2] =	sst s2  }
0x8f: {  	_ = 	snop  }
0x90: {  	s2 =	sld [smem:$0x3FC9]  }
0x91: {  	s18 =	sld [smem:$0x3FC8]  }
0x92: {  	s4 =	sld [smem:$0x3FC7]  }
0x93: {  	s5 =	sld [smem:$0x3FC6]  }
0x94: {  	s6 =	sld [smem:$0x3FC5]  }
0x95: {  	s7 =	sld [smem:$0x3FC4];
	(tm) =	ssettm $0x1  }
0x96: {  	s8 =	sld [smem:$0x3FFB];
	_ =	sdelay $0x3  }
0x97: {  	_ =	strace s8  }
0x98: {  	s8 =	sld [smem:$0x3FFC];
	_ =	sdelay $0x3  }
0x99: {  	_ =	strace s8  }
0x9a: {  	s8 =	sld [smem:$0x3FFD];
	_ =	sdelay $0x3  }
0x9b: {  	_ =	strace s8  }
0x9c: {  	_ =	strace $0x8FFFFFFF  }
0x9d: {  	s19 =	sld [smem:$0x3FDB];
	_ =	sdelay $0x1  }
0x9e: {  	s9 =	simm.s32 $_scs_section_size  }
0x9f: {  	s10 =	simm.s32 $_size__tile_overlayer_lowered;
	s11 =	simm.s32 $_tile_overlayer_lowered  }
0xa0: {  	s22 =	simm.s32 $0x1BFF;
	s21 =	sshll.u32 s11, $0x1;
	s8 =	sadd.s32 s9, s19  }
0xa1: {  	s12 =	simm.s32 $0x0;
	s20 =	sshll.u32 s10, $0x1;
	s10 =	sadd.s32 s21, s8  }
0xa2: {  	[timem:s12], [sflag:s22] =	dma.local [hbm:s10], s20  }
0xa3: {  	_ =	swait.ge [sflag:s22], s20  }
0xa4: {  	s9 =	ssub.s32 $0x0, s20;
	[sflag:s22] =	ssyncset.done $0x0  }
0xa5: {  	[sflag:s22] =	ssyncadd.s32 s9;
	_ =	sdelay $0x1  }
0xa6: {  	s23 =	simm.s32 $0x1B8B  }
0xa7: {  	_ =	swait.ge [sflag:s23], $0x1  }
0xa8: {  	[sflag:s23] =	ssyncset.done $0x0  }
0xa9: {  	s25 =	simm.s32 $0x1B8E;
	s24 =	sld [smem:$0x3FFE];
	[sflag:s23] =	ssyncadd.s32 $0xFFFFFFFF  }
0xaa: {  	s26 =	simm.s32 $execute0_lowered;
	[smem:$0x3FD2] =	sst s25  }
0xab: {  	s10 =	sshll.u32 s26, $0x1;
	_ =	strace $0x80000046;
	[dreg:$0x1] =	wrdreg $0xFFFFFFFF  }
0xac: {  	s28 =	simm.s32 $_size_execute0_lowered;
	s8 =	sadd.s32 s8, s10;
	[dreg:$0x0] =	wrdreg $0x0  }
0xad: {  	s10 =	sshll.u32 s28, $0x1;
	[dreg:$0x2] =	wrdreg s8  }
0xae: {  	[dreg:$0x3] =	wrdreg s10  }
0xaf: {  	[dreg:$0x4] =	wrdreg $0xC0  }
0xb0: {  	_ =	task [dreg:s12], $0x5FFFF  }
0xb1: {  	[dreg:$0x1] =	wrdreg $0xFFFFFFFF  }
0xb2: {  	[dreg:$0x0] =	wrdreg $0x60  }
0xb3: {  	[dreg:$0x2] =	wrdreg s2  }
0xb4: {  	[dreg:$0x3] =	wrdreg s18  }
0xb5: {  	[dreg:$0x4] =	wrdreg s4  }
0xb6: {  	[dreg:$0x5] =	wrdreg s5  }
0xb7: {  	[dreg:$0x6] =	wrdreg s6  }
0xb8: {  	[dreg:$0x7] =	wrdreg s7  }
0xb9: {  	[dreg:$0x8] =	wrdreg s24  }
0xba: {  	[dreg:$0x9] =	wrdreg $0x9  }
0xbb: {  	_ =	task.clear_ibuf [dreg:s12], $0xAFFFF;
	_ =	strace $0x90000046  }
0xbc: {  	s29 =	simm.s32 $0x9;
	_ =	strace $0x80000048  }
0xbd: {  	_ =	swait.ge [sflag:s29], $0x1  }
0xbe: {  	[sflag:s29] =	ssyncadd.s32 $0xFFFFFFFF  }
0xbf: {  	_ =	strace $0x90000048  }
0xc0: {  	_ =	sfence  }
0xc1: {  	s30 =	sld [smem:$0x0];
	_ =	sdelay $0x2  }
0xc2: {  	s31 =	sshll.u32 s1, $0xD;
	s1 =	sshrl.u32 s1, $0x2  }
0xc3: {  	s3 =	sand.u32 $0x4000, s31;
	s1 =	sadd.s32 s1, s30  }
0xc4: {  	s0 =	sor.u32 s3, s0;
	s1 =	sshll.u32 s1, $0x11  }
0xc5: {  	s0 =	sor.u32 s1, s0  }
0xc6: {  	s0 =	sadd.s32 $0x8F2B, s0  }
0xc7: {  	[sflag:s0] =	ssyncadd.remote.s32 $0x1  }
0xc8: {  	_ =	sfence.sel $0xFFFF  }
0xc9: {  	[dreg:$0x0] =	wrdreg $0xFFFFFFFF;
	(pc) =	sbr.abs _section_cstart, $3  }
0xca: {  	[dreg:$0x1] =	wrdreg $0xFFFFFFFF  }
0xcb: {  	_ =	task.clear_ibuf [dreg:s12], $0x2FFFF;
	_ =	strace $0x9FFFFFFF  }
0xcc: {  	(tm) =	ssettm $0x7FFFFFFF  }
0xcd: {  	_ =	shalt  }
tec
execute0_lowered:
.L_overlay_start_1:
0x0: {  	(tag) =	ssettag $0x1  }
0x1: {  	s7 =	rddreg [dreg:$0x0]  }
0x2: {  	s9 =	rddreg [dreg:$0x1]  }
0x3: {  	s1 =	rddreg [dreg:$0x2]  }
0x4: {  	s0 =	srdreg.scid;
	s10 =	rddreg [dreg:$0x3]  }
0x5: {  	s24 =	stileid.u32;
	s2 =	rddreg [dreg:$0x4]  }
0x6: {  	s12 =	rddreg [dreg:$0x6];
	s5 =	simm.s32 $0x0;
	s20 =	simm.s32 $0x3  }
0x7: {  	s21 =	simm.s32 $0x1;
	s23 =	simm.s32 $0x10480;
	s6 =	sand.u32 $0x1, s0  }
0x8: {  	s25 =	sshll.u32 s24, $0x9;
	[smem:$0x7FF] =	sst s5;
	s15 =	sshll.u32 s24, $0x4  }
0x9: {  	s3 =	sshll.u32 s6, $0x4;
	s13 =	sand.u32 $0x200, s25;
	_ =	strace $0x80000047  }
0xa: {  	s16 =	ssub.s32 $0x2, s6;
	s28 =	sand.u32 $0x70, s15;
	s15 =	simm.s32 $0x400  }
0xb: {  	s11 =	sor.u32 s24, s3;
	s29 =	sshrl.u32 s16, $0x1;
	s24 =	simm.s32 $0x0  }
0xc: {  	s8 =	sshrl.u32 s11, $0x1;
	s30 =	sshll.u32 s11, $0x2;
	s31 =	sshll.u32 s11, $0x4  }
0xd: {  	s19 =	sshllo.u32 s11, $0x2;
	s14 =	sshll.u32 s8, $0xA;
	s8 =	sshll.u32 s8, $0x10  }
0xe: {  	s17 =	sor.u32 $0x1, s30;
	s18 =	sor.u32 $0x2, s30;
	v3 =	vmov s19;
	s19 =	simm.s32 $0x4  }
0xf: {  	s14 =	sor.u32 s13, s14;
	s26 =	sor.u32 s13, s8;
	s13 =	ssub.s32 s16, s29  }
0x10: {  	s16 =	sand.u32 $0x180, s31;
	v2 =	vmov s18;
	s18 =	simm.s32 $0x10000;
	s14 =	sshrl.u32 s14, $0x3  }
0x11: {  	s6 =	sshrl.u32 s26, $0x3;
	s13 =	smax.u32 s13, $0x1;
	s14 =	sadd.s32 s14, s12  }
0x12: {  	v4 =	vimm.f32 $0.0e+00;
	v0 =	vmov s30;
	s12 =	sadd.s32 s28, s12;
	s7 =	sadd.s32 s7, s6;
	s9 =	sadd.s32 s9, s6  }
0x13: {  	v5 =	vlaneseq.u32;
	v0 =	vbroadcast v0, $0x0;
	v1 =	vmov s17;
	s10 =	sadd.s32 s10, s6;
	s8 =	sadd.s32 $0x1000, s7;
	s12 =	sadd.s32 s16, s12  }
0x14: {  	vm0 =	vcmask $0x300;
	v1 =	vbroadcast v1, $0x0;
	v2 =	vbroadcast v2, $0x0;
	s11 =	sadd.s32 $0x800, s14;
	s14 =	simm.s32 $0x200;
	s12 =	sadd.s32 $0x1000, s12  }
.LBB2_1:
0x15: {  	[tilespmem:s5], [sflag:$0x3] =	stream.strided.gather [hbm4b:s7+s14], $0x4000, s15, s14, $0x38;
	[tilespmem:$0x10500] =	vst v63  }
0x16: {  	s0 =	simm.s32 $0x4000  }
0x17: {  	[tilespmem:s0], [sflag:$0x1] =	stream.strided.gather [hbm4b:s8+s14], $0x4000, s15, s14, $0x38;
	[tilespmem:$0x10500] =	vst v63  }
0x18: {  	s26 =	simm.s32 $0x8000  }
0x19: {  	[tilespmem:s26], [sflag:$0x2] =	stream.strided.gather [hbm4b:s9+s14], $0x8000, s15, s14, $0x38;
	[tilespmem:$0x10500] =	vst v63  }
0x1a: {  	s31 =	rddreg [dreg:$0x5]  }
0x1b: {  	[tilespmem:s18], [sflag:$0x4] =	stream.linear.gather [hbm4b:s31+s5], $0x80, $0x38;
	[tilespmem:$0x10500] =	vst v63  }
0x1c: {  	_ =	swait.ge [sflag:s19], $0x80  }
0x1d: {  	[sflag:s19] =	ssyncset.done $0x0  }
0x1e: {  	[sflag:s19] =	ssyncadd.s32 $0xFFFFFF80  }
0x1f: {  	[tilespmem:$0x10080] =	vst v4  }
0x20: {  	[tilespmem:$0x10100] =	vst v4  }
0x21: {  	[tilespmem:$0x10180] =	vst v4  }
0x22: {  	[tilespmem:$0x10200] =	vst v4  }
0x23: {  	_ =	swait.ge [sflag:s20], $0x4000  }
0x24: {  	s25 =	sand.u32 $0x40, s5;
	s26 =	sand.u32 $0x3E00, s5;
	[sflag:s20] =	ssyncset.done $0x0  }
0x25: {  	s25 =	sor.u32 s25, s26;
	[sflag:s20] =	ssyncadd.s32 $0xFFFFC000  }
0x26: {  	p0 =	por $0x0, $0x0;
	s26 =	simm.s32 $0x1;
	v6 =	vld [tilespmem:s25+$0x30]  }
0x27: {  	s26 =	simm.s32 @!p0 $0x0;
	v7 =	vld [tilespmem:s25+$0x20]  }
0x28: {  	s26 =	sshll.u32 s26, $0x6;
	v9 =	vld [tilespmem:s25+$0x0]  }
0x29: {  	s26 =	sadd.s32 $0x0, s26;
	v14 =	vld [tilespmem:s25+$0x80]  }
0x2a: {  	s29 =	sor.u32 $0x180, s26;
	v10 =	vld [tilespmem:s25+$0x10]  }
0x2b: {  	v18 =	vld [tilespmem:s29+$0x0]  }
0x2c: {  	s28 =	sor.u32 $0x100, s26;
	s30 =	sadd.s32 $0x10, s26;
	v8 =	vld [tilespmem:s25+$0x90]  }
0x2d: {  	v12 =	vimm.f32 $-Inf;
	v23 =	vimm.f32 $-Inf;
	v22 =	vimm.f32 $-Inf;
	v11 =	vld [tilespmem:s28+$0x0];
	s28 =	sor.u32 $0x180, s30;
	s29 =	sadd.s32 $0x20, s26  }
0x2e: {  	v15 =	vld [tilespmem:s28+$0x0];
	s28 =	sor.u32 $0x100, s29;
	s29 =	sor.u32 $0x180, s29;
	v13 =	vmin.f32 v12, v9;
	v9 =	vmax.f32 v12, v9;
	v20 =	vmax.f32 v12, v14  }
0x2f: {  	s30 =	sor.u32 $0x100, s30;
	v19 =	vld [tilespmem:s29+$0x0];
	v16 =	vmax.f32 v12, v13;
	v17 =	vmin.f32 v9, v10;
	v9 =	vmax.f32 v9, v10  }
0x30: {  	v24 =	vmin.f32 v12, v18;
	v13 =	vld [tilespmem:s30+$0x0];
	v16 =	vmax.f32 v16, v17;
	v17 =	vmin.f32 v9, v7  }
0x31: {  	s26 =	sadd.s32 $0x30, s26;
	v10 =	vld [tilespmem:s28+$0x0];
	v7 =	vmax.f32 v9, v7;
	v9 =	vmin.f32 v12, v14;
	v16 =	vmax.f32 v16, v17  }
0x32: {  	p0 =	por !p0, !p0;
	s29 =	sor.u32 $0x180, s26;
	v14 =	vmax.f32 v12, v9;
	v21 =	vmin.f32 v7, v6;
	v7 =	vmax.f32 v7, v6;
	v9 =	vld [tilespmem:s25+$0xB0]  }
0x33: {  	s30 =	simm.s32 $0x40;
	s28 =	sor.u32 $0x100, s26;
	v17 =	vmin.f32 v20, v8;
	v6 =	vmax.f32 v16, v21;
	v16 =	vld [tilespmem:s25+$0xA0];
	s25 =	simm.s32 $0x100;
	v21 =	vimm.f32 $-Inf  }
.LBB2_2:
0x34: {  	s26 =	simm.s32 $0x1;
	s31 =	sand.u32 $0x40, s30  }
0x35: {  	s3 =	sand.u32 $0x3E00, s25;
	v25 =	vmin.f32 v12, v11;
	v23 =	vmax.f32 v23, v24;
	v18 =	vmax.f32 v22, v18;
	v22 =	vld [tilespmem:s28+$0x0];
	s28 =	smov.u32 s30;
	s26 =	simm.s32 @!p0 $0x0  }
0x36: {  	v11 =	vmax.f32 v12, v11;
	s28 =	sor.u32 s31, s3;
	v21 =	vmax.f32 v21, v25;
	v12 =	vmax.f32 v18, v15;
	s0 =	sshll.u32 s26, $0x6;
	s26 =	sadd.s32 $0x40, s30;
	v24 =	vld [tilespmem:s29+$0x0]  }
0x37: {  	p1 =	sne.s32 s30, $0xFC0;
	v20 =	vmax.f32 v20, v8;
	v15 =	vmin.f32 v18, v15;
	v26 =	vmax.f32 v12, v19;
	s0 =	sadd.s32 s0, s25;
	v25 =	vld [tilespmem:s28+$0x30]  }
0x38: {  	v18 =	vmin.f32 v11, v13;
	v11 =	vmax.f32 v11, v13;
	v12 =	vmin.f32 v12, v19;
	s3 =	sor.u32 $0x100, s0;
	v27 =	vld [tilespmem:s28+$0x20];
	s29 =	sadd.s32 $0x20, s0;
	s30 =	sadd.s32 $0x30, s0  }
0x39: {  	v13 =	vmax.f32 v21, v18;
	v18 =	vmin.f32 v11, v10;
	s31 =	sor.u32 $0x180, s0;
	s0 =	sadd.s32 $0x10, s0;
	v19 =	vmax.f32 v20, v16;
	v8 =	vld [tilespmem:s28+$0x90];
	s4 =	sor.u32 $0x100, s29  }
0x3a: {  	v14 =	vmax.f32 v14, v17;
	v10 =	vmax.f32 v11, v10;
	v13 =	vmax.f32 v13, v18;
	s16 =	sor.u32 $0x100, s0;
	v28 =	vld [tilespmem:s28+$0x0]  }
0x3b: {  	v16 =	vmin.f32 v20, v16;
	s0 =	sor.u32 $0x180, s0;
	v11 =	vmin.f32 v10, v22;
	v17 =	vld [tilespmem:s28+$0x10];
	v20 =	vmin.f32 v26, v24  }
0x3c: {  	v15 =	vmax.f32 v23, v15;
	v23 =	vmin.f32 v19, v9;
	v21 =	vmax.f32 v13, v11;
	v29 =	vld [tilespmem:s28+$0x80]  }
0x3d: {  	v13 =	vmax.f32 v14, v16;
	v14 =	vmax.f32 v15, v12;
	v12 =	vmax.f32 v10, v22;
	v11 =	vld [tilespmem:s3+$0x0];
	s3 =	sor.u32 $0x180, s29  }
0x3e: {  	v9 =	vmax.f32 v19, v9;
	v16 =	vmax.f32 v13, v23;
	v22 =	vmax.f32 v26, v24;
	s29 =	sor.u32 $0x180, s30;
	v18 =	vld [tilespmem:s31+$0x0]  }
0x3f: {  	v23 =	vmax.f32 v14, v20;
	v10 =	vmin.f32 v7, v28;
	v7 =	vmax.f32 v7, v28;
	v15 =	vld [tilespmem:s0+$0x0]  }
.Ltmp0:
0x40: {  	v6 =	vmax.f32 v6, v10;
	v10 =	vmin.f32 v7, v17;
	v7 =	vmax.f32 v7, v17;
	v13 =	vld [tilespmem:s16+$0x0];
	(pc) =	sbr.rel @p1 .LBB2_2-.Ltmp0, $4  }
0x41: {  	v6 =	vmax.f32 v6, v10;
	v14 =	vmin.f32 v7, v27;
	v7 =	vmax.f32 v7, v27;
	v10 =	vld [tilespmem:s4+$0x0]  }
0x42: {  	v17 =	vmin.f32 v9, v29;
	v20 =	vmax.f32 v9, v29;
	v6 =	vmax.f32 v6, v14;
	v19 =	vld [tilespmem:s3+$0x0]  }
0x43: {  	p0 =	por !p0, !p0;
	v14 =	vmax.f32 v16, v17;
	v26 =	vmin.f32 v7, v25;
	v7 =	vmax.f32 v7, v25;
	v9 =	vld [tilespmem:s28+$0xB0]  }
0x44: {  	s25 =	sadd.s32 $0x100, s25;
	v17 =	vmin.f32 v20, v8;
	v24 =	vmin.f32 v22, v18;
	v6 =	vmax.f32 v6, v26;
	v16 =	vld [tilespmem:s28+$0xA0];
	s28 =	sor.u32 $0x100, s30;
	s30 =	smov.u32 s26  }
0x45: {  	v25 =	vld [tilespmem:s28+$0x0]  }
0x46: {  	v26 =	vld [tilespmem:s29+$0x0];
	_ =	swait.ge [sflag:s21], $0x4000;
	s0 =	simm.s32 $0x0  }
0x47: {  	[sflag:s21] =	ssyncset.done $0x0;
	s3 =	sand.u32 $0x40, s0;
	s4 =	sand.u32 $0x3E00, s0  }
0x48: {  	v27 =	vmin.f32 v12, v11;
	v23 =	vmax.f32 v23, v24;
	v18 =	vmax.f32 v22, v18;
	[sflag:s21] =	ssyncadd.s32 $0xFFFFC000;
	s3 =	sor.u32 s3, s4  }
0x49: {  	v11 =	vmax.f32 v12, v11;
	v8 =	vmax.f32 v20, v8;
	v14 =	vmax.f32 v14, v17;
	v22 =	vld [tilespmem:s3+$0x4000]  }
0x4a: {  	s25 =	simm.s32 $0x1010;
	s16 =	simm.s32 $0x4040;
	v21 =	vmax.f32 v21, v27;
	v12 =	vmax.f32 v18, v15;
	v15 =	vmin.f32 v18, v15;
	v20 =	vld [tilespmem:s3+$0x4180]  }
0x4b: {  	v24 =	vmin.f32 v11, v13;
	v11 =	vmax.f32 v11, v13;
	s16 =	sand.u32 $0x7E00, s16;
	v18 =	vmax.f32 v12, v19;
	s4 =	sand.u32 $0x50, s25;
	v13 =	vld [tilespmem:s3+$0x4100]  }
0x4c: {  	s26 =	simm.s32 $0x1020;
	s31 =	simm.s32 $0x4080;
	v12 =	vmin.f32 v12, v19;
	v19 =	vmax.f32 v21, v24;
	v24 =	vmin.f32 v11, v10;
	v27 =	vld [tilespmem:s3+$0x4080];
	s3 =	sor.u32 s4, s16  }
0x4d: {  	v10 =	vmax.f32 v11, v10;
	v15 =	vmax.f32 v23, v15;
	v17 =	vmax.f32 v19, v24;
	s4 =	sand.u32 $0x60, s26;
	s16 =	sand.u32 $0x7E00, s31;
	v11 =	vld [tilespmem:s3+$0x0]  }
0x4e: {  	v12 =	vmax.f32 v15, v12;
	v21 =	vmax.f32 v8, v16;
	v8 =	vmin.f32 v8, v16;
	v24 =	vld [tilespmem:s3+$0x180];
	s25 =	sor.u32 s4, s16  }
0x4f: {  	s0 =	sand.u32 $0x3, s0;
	v16 =	vmin.f32 v10, v25;
	v19 =	vmin.f32 v18, v26;
	v8 =	vmax.f32 v14, v8;
	v14 =	vld [tilespmem:s25+$0x100]  }
0x50: {  	s17 =	simm.s32 $0x40C0;
	s22 =	simm.s32 $0x1030;
	s0 =	sshll.u32 s0, $0x5;
	v23 =	vmin.f32 v21, v9;
	v15 =	vmax.f32 v21, v9;
	v9 =	vmax.f32 v18, v26;
	v18 =	vld [tilespmem:s3+$0x80]  }
0x51: {  	s0 =	sadd.s32 $0x0, s0;
	s4 =	sand.u32 $0x7E00, s17;
	s16 =	sand.u32 $0x70, s22;
	v10 =	vmax.f32 v10, v25;
	v16 =	vmax.f32 v17, v16;
	v8 =	vmax.f32 v8, v23;
	v23 =	vld [tilespmem:s25+$0x0]  }
0x52: {  	s0 =	sadd.s32 $0x40A0, s0;
	s26 =	sor.u32 s16, s4;
	v17 =	vld [tilespmem:s3+$0x100];
	v12 =	vmax.f32 v12, v19;
	v19 =	vmin.f32 v7, v22;
	v21 =	vmin.f32 v10, v13  }
0x53: {  	s31 =	simm.s32 $0x100;
	s0 =	sor.u32 $0x100, s0;
	s16 =	simm.s32 $0x40;
	v10 =	vmax.f32 v10, v13;
	v7 =	vmax.f32 v7, v22;
	v22 =	vld [tilespmem:s26+$0x100];
	v13 =	vmax.f32 v16, v21  }
0x54: {  	s4 =	sand.u32 $0x3E00, s31;
	v21 =	vmin.f32 v7, v11;
	v7 =	vmax.f32 v7, v11;
	v6 =	vmax.f32 v6, v19;
	v19 =	vld [tilespmem:s0+$0x0];
	s0 =	sand.u32 $0x40, s16  }
0x55: {  	v16 =	vld [tilespmem:s26+$0x0];
	v11 =	vmin.f32 v9, v20;
	v9 =	vmax.f32 v9, v20;
	s0 =	sor.u32 s0, s4;
	v6 =	vmax.f32 v6, v21  }
0x56: {  	v11 =	vmax.f32 v12, v11;
	v21 =	vmin.f32 v7, v23;
	v7 =	vmax.f32 v7, v23;
	v23 =	vld [tilespmem:s0+$0x4000]  }
0x57: {  	v12 =	vmax.f32 v9, v24;
	v25 =	vmin.f32 v10, v17;
	v10 =	vmax.f32 v10, v17;
	v26 =	vld [tilespmem:s0+$0x4180]  }
0x58: {  	v17 =	vmin.f32 v9, v24;
	v13 =	vmax.f32 v13, v25;
	v25 =	vld [tilespmem:s26+$0x180];
	v9 =	vmin.f32 v10, v14  }
0x59: {  	s17 =	simm.s32 $0x1050;
	s22 =	simm.s32 $0x4140;
	v6 =	vmax.f32 v6, v21;
	v10 =	vmax.f32 v10, v14;
	v13 =	vmax.f32 v13, v9;
	v9 =	vld [tilespmem:s0+$0x4080]  }
0x5a: {  	s3 =	sand.u32 $0x50, s17;
	s4 =	sand.u32 $0x7E00, s22;
	v14 =	vmin.f32 v15, v27;
	v21 =	vmin.f32 v7, v16;
	v7 =	vmax.f32 v7, v16;
	v16 =	vld [tilespmem:s0+$0x4100]  }
0x5b: {  	v15 =	vmax.f32 v15, v27;
	s0 =	sor.u32 s3, s4;
	v28 =	vmax.f32 v6, v21;
	v6 =	vmax.f32 v11, v17;
	v17 =	vld [tilespmem:s25+$0x80]  }
0x5c: {  	v14 =	vmax.f32 v8, v14;
	v27 =	vmin.f32 v15, v18;
	v11 =	vmin.f32 v12, v19;
	v21 =	vld [tilespmem:s0+$0x0]  }
0x5d: {  	v20 =	vld [tilespmem:s26+$0x80];
	v18 =	vmax.f32 v15, v18;
	v30 =	vmax.f32 v12, v19;
	v11 =	vmax.f32 v6, v11  }
0x5e: {  	s31 =	simm.s32 $0x2;
	s26 =	simm.s32 $0x4180;
	s25 =	simm.s32 $0x1060;
	v12 =	vld [tilespmem:s0+$0x80];
	v6 =	vmin.f32 v10, v22;
	v10 =	vmax.f32 v10, v22;
	v29 =	vmin.f32 v7, v23  }
0x5f: {  	s17 =	sand.u32 $0x3, s31;
	s4 =	sand.u32 $0x7E00, s26;
	s3 =	sand.u32 $0x60, s25;
	v7 =	vmax.f32 v7, v23;
	v22 =	vmin.f32 v10, v16;
	v15 =	vmax.f32 v10, v16;
	v16 =	vld [tilespmem:s0+$0x100]  }
0x60: {  	s22 =	simm.s32 $0x41C0;
	s26 =	simm.s32 $0x1070;
	v13 =	vmax.f32 v13, v6;
	v6 =	vld [tilespmem:s0+$0x180];
	s25 =	sor.u32 s3, s4;
	v31 =	vmin.f32 v30, v25;
	v10 =	vmax.f32 v18, v17  }
0x61: {  	s16 =	sand.u32 $0x70, s26;
	s3 =	sshll.u32 s17, $0x5;
	s4 =	sand.u32 $0x7E00, s22;
	v8 =	vld [tilespmem:s25+$0x100];
	v32 =	vmax.f32 v13, v22;
	v13 =	vmin.f32 v18, v17;
	v23 =	vmin.f32 v7, v21  }
0x62: {  	s31 =	sadd.s32 $0x100, s3;
	v24 =	vld [tilespmem:s25+$0x0];
	s30 =	sor.u32 s16, s4;
	v22 =	vmax.f32 v7, v21;
	v7 =	vmax.f32 v14, v27;
	v17 =	vmax.f32 v30, v25  }
0x63: {  	s0 =	sadd.s32 $0x40A0, s31;
	v21 =	vld [tilespmem:s30+$0x0];
	v25 =	vmax.f32 v28, v29;
	v19 =	vmin.f32 v10, v20;
	v18 =	vmax.f32 v10, v20  }
0x64: {  	s0 =	sor.u32 $0x100, s0;
	v14 =	vld [tilespmem:s30+$0x100];
	v10 =	vmax.f32 v11, v31;
	v11 =	vmin.f32 v17, v26;
	v27 =	vmin.f32 v15, v16  }
0x65: {  	s28 =	simm.s32 $0x80;
	s29 =	simm.s32 $0x4;
	s26 =	simm.s32 $0x200;
	v20 =	vmax.f32 v7, v13;
	v13 =	vmax.f32 v17, v26;
	v7 =	vld [tilespmem:s0+$0x0];
	v17 =	vmax.f32 v32, v27  }
.LBB2_4:
0x66: {  	s0 =	sand.u32 $0x3, s29  }
0x67: {  	s3 =	sand.u32 $0x40, s28;
	s4 =	sand.u32 $0x3E00, s26;
	v15 =	vmax.f32 v15, v16;
	v16 =	vmin.f32 v13, v6;
	v26 =	vld [tilespmem:s30+$0x80];
	v19 =	vmax.f32 v20, v19;
	s16 =	smov.u32 s26  }
0x68: {  	v20 =	vmax.f32 v25, v23;
	s0 =	sshll.u32 s0, $0x5;
	s3 =	sor.u32 s3, s4;
	s4 =	sadd.s32 $0x40C0, s26;
	v23 =	vmin.f32 v22, v24;
	v22 =	vmax.f32 v22, v24;
	v25 =	vld [tilespmem:s30+$0x180]  }
0x69: {  	s17 =	sadd.s32 $0x1030, s28;
	s30 =	sadd.s32 $0x1010, s28;
	s0 =	sadd.s32 s26, s0;
	v24 =	vld [tilespmem:s3+$0x4000];
	v20 =	vmax.f32 v20, v23;
	v23 =	vmin.f32 v22, v21;
	v21 =	vmax.f32 v22, v21  }
0x6a: {  	v10 =	vmax.f32 v10, v11;
	v11 =	vmax.f32 v13, v6;
	s30 =	sand.u32 $0x50, s30;
	s4 =	sand.u32 $0x7E00, s4;
	v27 =	vld [tilespmem:s3+$0x4180];
	s0 =	sadd.s32 $0x40A0, s0;
	v13 =	vmax.f32 v20, v23  }
0x6b: {  	s22 =	sadd.s32 $0x4040, s26;
	v6 =	vmax.f32 v10, v16;
	v10 =	vmin.f32 v15, v8;
	v20 =	vld [tilespmem:s3+$0x4100];
	s31 =	sor.u32 $0x100, s0;
	s0 =	sand.u32 $0x70, s17;
	v16 =	vmin.f32 v11, v7  }
0x6c: {  	p0 =	sne.s32 s26, $0x3F00;
	v8 =	vmax.f32 v15, v8;
	s26 =	sadd.s32 $0x100, s26;
	v10 =	vmax.f32 v17, v10;
	s17 =	sand.u32 $0x7E00, s22;
	v22 =	vld [tilespmem:s25+$0x80];
	v17 =	vmax.f32 v6, v16  }
0x6d: {  	v15 =	vmin.f32 v18, v9;
	v6 =	vmin.f32 v8, v14;
	v8 =	vmax.f32 v8, v14;
	v23 =	vld [tilespmem:s3+$0x4080];
	s3 =	sor.u32 s30, s17  }
0x6e: {  	s16 =	sadd.s32 $0x4080, s16;
	v9 =	vmax.f32 v18, v9;
	s17 =	sadd.s32 $0x1020, s28;
	v10 =	vmax.f32 v10, v6;
	v28 =	vmin.f32 v21, v24;
	v14 =	vld [tilespmem:s3+$0x0]  }
0x6f: {  	s16 =	sand.u32 $0x7E00, s16;
	v29 =	vmax.f32 v19, v15;
	v30 =	vmin.f32 v9, v12;
	v9 =	vmax.f32 v9, v12;
	s17 =	sand.u32 $0x60, s17;
	v6 =	vld [tilespmem:s3+$0x180]  }
0x70: {  	v7 =	vmax.f32 v11, v7;
	s25 =	sor.u32 s17, s16;
	v12 =	vmin.f32 v8, v20;
	v15 =	vmax.f32 v8, v20;
	v16 =	vld [tilespmem:s3+$0x100]  }
0x71: {  	v11 =	vmax.f32 v21, v24;
	v20 =	vmin.f32 v7, v25;
	v8 =	vld [tilespmem:s25+$0x100];
	v18 =	vmax.f32 v9, v22  }
.Ltmp1:
0x72: {  	v31 =	vmax.f32 v10, v12;
	v32 =	vmin.f32 v9, v22;
	v12 =	vld [tilespmem:s3+$0x80];
	v19 =	vmin.f32 v18, v26;
	v9 =	vmovc v23;
	(pc) =	sbr.rel @p0 .LBB2_4-.Ltmp1, $4  }
0x73: {  	s30 =	sor.u32 s0, s4;
	v18 =	vmax.f32 v18, v26;
	v23 =	vmin.f32 v11, v14;
	v22 =	vmax.f32 v11, v14;
	v24 =	vld [tilespmem:s25+$0x0]  }
0x74: {  	v7 =	vmax.f32 v7, v25;
	v10 =	vmax.f32 v17, v20;
	v26 =	vmax.f32 v29, v30;
	v21 =	vld [tilespmem:s30+$0x0]  }
0x75: {  	v11 =	vmin.f32 v7, v27;
	v20 =	vmax.f32 v26, v32;
	v17 =	vmin.f32 v15, v16;
	v14 =	vld [tilespmem:s30+$0x100]  }
0x76: {  	s29 =	sadd.s32 $0x2, s29;
	s28 =	sadd.s32 $0x40, s28;
	v25 =	vmax.f32 v13, v28;
	v13 =	vmax.f32 v7, v27;
	v17 =	vmax.f32 v31, v17;
	v7 =	vld [tilespmem:s31+$0x0]  }
0x77: {  	_ =	sdelay $0x3  }
0x78: {  	v27 =	vld.idx.msk [tilespmem:v0+s18+$0x0], $0xffff;
	v26 =	vmax.f32 v22, v24  }
0x79: {  	v28 =	vmax.f32 v26, v21  }
0x7a: {  	(xrf0) =	vmax.scan.msk.f32 $0xffff, v28;
	_ =	sdelay $0x2  }
0x7b: {  	v29 =	vshll.u32 v27, $0x2  }
0x7c: {  	v27 =	vand.u32 $0x7F, v27;
	v29 =	vand.u32 $0xFFFFFE00, v29  }
0x7d: {  	v27 =	vor.u32 v27, v29  }
0x7e: {  	v51, _, _ =	vpop (xrf0)  }
0x7f: {  	v30 =	vbroadcast v51, $0xF;
	_ =	sdelay $0x1  }
0x80: {  	vm1 =	veq.f32 v28, v30  }
0x81: {  	v23 =	vmax.f32 v25, v23;
	v52 =	vmin.f32 v22, v24;
	v54 =	vld.idx.msk [tilespmem:v27+s5+$0x0], $0xffff;
	v53 =	vmctz.xlane vm1  }
0x82: {  	v22 =	vmax.f32 v23, v52;
	v55 =	vmin.f32 v26, v21  }
0x83: {  	v21 =	vmax.f32 v22, v55;
	vm1 =	veq.s32 v53, v5  }
0x84: {  	v21 =	vsel vm1, v21, v28  }
0x85: {  	(xrf0) =	vmax.scan.msk.f32 $0xffff, v21  }
0x86: {  	(xrf0) =	vmax.scan.msk.f32 $0xffff, v54;
	_ =	sdelay $0x4  }
0x87: {  	(v2sf) =	vpush v51, $0xF;
	v21, _, _ =	vpop (xrf0)  }
0x88: {  	(v2sf) =	vpush v21, $0xF;
	v56, _, _ =	vpop (xrf0)  }
0x89: {  	(v2sf) =	vpush v56, $0xF;
	_ =	sdelay $0xc  }
0x8a: {  	s26 =	spop (v2sf)  }
0x8b: {  	s0 =	spop (v2sf)  }
0x8c: {  	s3 =	spop (v2sf)  }
0x8d: {  	s0 =	ssub.f32 s26, s0;
	p0 =	seq.f32 s3, s26  }
0x8e: {  	_ = 	snop  }
0x8f: {  	v57 =	vld [tilespmem:s25+$0x80];
	s0 =	simm.s32 @!p0 $0x0  }
0x90: {  	v58 =	vld [tilespmem:s30+$0x80];
	v59 =	vmov s0  }
0x91: {  	v23 =	vnsel vm0, $0x0, v59  }
0x92: {  	v60 =	vmax.f32 v18, v9;
	v24 =	vld [tilespmem:s30+$0x180];
	[tilespmem:$0x10080] =	vst v23  }
0x93: {  	v61 =	vmax.f32 v60, v12;
	v62 =	vld.idx.msk [tilespmem:v1+s18+$0x0], $0xffff  }
0x94: {  	v63 =	vmax.f32 v61, v57  }
0x95: {  	v33 =	vmax.f32 v63, v58  }
0x96: {  	(xrf0) =	vmax.scan.msk.f32 $0xffff, v33;
	_ =	sdelay $0x1  }
0x97: {  	v34 =	vshll.u32 v62, $0x2  }
0x98: {  	v26 =	vand.u32 $0x7F, v62;
	v29 =	vand.u32 $0xFFFFFE00, v34  }
0x99: {  	v26 =	vor.u32 v29, v26  }
0x9a: {  	v26 =	vor.u32 $0x80, v26  }
0x9b: {  	v35, _, _ =	vpop (xrf0)  }
0x9c: {  	v36 =	vbroadcast v35, $0xF  }
0x9d: {  	v19 =	vmax.f32 v20, v19;
	v37 =	vmin.f32 v18, v9  }
0x9e: {  	v9 =	vmax.f32 v19, v37;
	v38 =	vmin.f32 v60, v12;
	vm1 =	veq.f32 v33, v36  }
0x9f: {  	v9 =	vmax.f32 v9, v38;
	v39 =	vmin.f32 v61, v57;
	v40 =	vmctz.xlane vm1;
	v41 =	vld.idx.msk [tilespmem:v26+s5+$0x0], $0xffff  }
0xa0: {  	v42 =	vmin.f32 v63, v58;
	v9 =	vmax.f32 v9, v39  }
0xa1: {  	v9 =	vmax.f32 v9, v42;
	vm1 =	veq.s32 v40, v5  }
0xa2: {  	v9 =	vsel vm1, v9, v33  }
0xa3: {  	(xrf0) =	vmax.scan.msk.f32 $0xffff, v9  }
0xa4: {  	(xrf0) =	vmax.scan.msk.f32 $0xffff, v41;
	_ =	sdelay $0x4  }
0xa5: {  	(v2sf) =	vpush v35, $0xF;
	v9, _, _ =	vpop (xrf0)  }
0xa6: {  	(v2sf) =	vpush v9, $0xF;
	v43, _, _ =	vpop (xrf0)  }
0xa7: {  	(v2sf) =	vpush v43, $0xF;
	_ =	sdelay $0xc  }
0xa8: {  	s31 =	spop (v2sf)  }
0xa9: {  	s4 =	spop (v2sf)  }
0xaa: {  	s16 =	spop (v2sf)  }
0xab: {  	s0 =	ssub.f32 s31, s4;
	p0 =	seq.f32 s16, s31  }
0xac: {  	_ = 	snop  }
0xad: {  	s0 =	simm.s32 @!p0 $0x0  }
0xae: {  	v44 =	vmov s0  }
0xaf: {  	v9 =	vnsel vm0, $0x0, v44  }
0xb0: {  	[tilespmem:$0x10100] =	vst v9  }
0xb1: {  	v45 =	vmax.f32 v15, v16;
	v46 =	vld.idx.msk [tilespmem:v2+s18+$0x0], $0xffff  }
0xb2: {  	v15 =	vmax.f32 v45, v8  }
0xb3: {  	v47 =	vmax.f32 v15, v14  }
0xb4: {  	(xrf0) =	vmax.scan.msk.f32 $0xffff, v47;
	_ =	sdelay $0x1  }
0xb5: {  	v48 =	vshll.u32 v46, $0x2  }
0xb6: {  	v12 =	vand.u32 $0x7F, v46;
	v18 =	vand.u32 $0xFFFFFE00, v48  }
0xb7: {  	v12 =	vor.u32 v18, v12  }
0xb8: {  	v12 =	vor.u32 $0x100, v12  }
0xb9: {  	v49, _, _ =	vpop (xrf0)  }
0xba: {  	v50 =	vbroadcast v49, $0xF;
	_ =	sdelay $0x1  }
0xbb: {  	vm1 =	veq.f32 v47, v50  }
0xbc: {  	v51 =	vmin.f32 v45, v8;
	v52 =	vmctz.xlane vm1;
	v12 =	vld.idx.msk [tilespmem:v12+s5+$0x0], $0xffff  }
0xbd: {  	v8 =	vmax.f32 v17, v51;
	v53 =	vmin.f32 v15, v14  }
0xbe: {  	v8 =	vmax.f32 v8, v53;
	vm1 =	veq.s32 v52, v5  }
0xbf: {  	v8 =	vsel vm1, v8, v47  }
0xc0: {  	(xrf0) =	vmax.scan.msk.f32 $0xffff, v8  }
0xc1: {  	(xrf0) =	vmax.scan.msk.f32 $0xffff, v12;
	_ =	sdelay $0x4  }
0xc2: {  	(v2sf) =	vpush v49, $0xF;
	v8, _, _ =	vpop (xrf0)  }
0xc3: {  	(v2sf) =	vpush v8, $0xF;
	v54, _, _ =	vpop (xrf0)  }
0xc4: {  	(v2sf) =	vpush v54, $0xF;
	_ =	sdelay $0xc  }
0xc5: {  	s17 =	spop (v2sf)  }
0xc6: {  	s22 =	spop (v2sf)  }
0xc7: {  	s4 =	spop (v2sf)  }
0xc8: {  	s3 =	ssub.f32 s17, s22;
	p0 =	seq.f32 s4, s17  }
0xc9: {  	_ = 	snop  }
0xca: {  	s3 =	simm.s32 @!p0 $0x0  }
0xcb: {  	v55 =	vmov s3  }
0xcc: {  	v8 =	vnsel vm0, $0x0, v55  }
0xcd: {  	[tilespmem:$0x10180] =	vst v8  }
0xce: {  	v56 =	vmax.f32 v13, v6;
	v57 =	vld.idx.msk [tilespmem:v3+s18+$0x0], $0xffff  }
0xcf: {  	v58 =	vmax.f32 v56, v7  }
0xd0: {  	v59 =	vmax.f32 v58, v24  }
0xd1: {  	(xrf0) =	vmax.scan.msk.f32 $0xffff, v59;
	_ =	sdelay $0x1  }
0xd2: {  	v60 =	vshll.u32 v57, $0x2  }
0xd3: {  	v9 =	vand.u32 $0x7F, v57;
	v15 =	vand.u32 $0xFFFFFE00, v60  }
0xd4: {  	v9 =	vor.u32 v15, v9  }
0xd5: {  	v9 =	vor.u32 $0x180, v9  }
0xd6: {  	v61, _, _ =	vpop (xrf0)  }
0xd7: {  	v62 =	vbroadcast v61, $0xF;
	_ =	sdelay $0x1  }
0xd8: {  	v10 =	vmax.f32 v10, v11;
	v6 =	vmin.f32 v13, v6;
	vm1 =	veq.f32 v59, v62  }
0xd9: {  	v6 =	vmax.f32 v10, v6;
	v7 =	vmin.f32 v56, v7;
	v63 =	vmctz.xlane vm1;
	v9 =	vld.idx.msk [tilespmem:v9+s5+$0x0], $0xffff  }
0xda: {  	v6 =	vmax.f32 v6, v7;
	v7 =	vmin.f32 v58, v24  }
0xdb: {  	v6 =	vmax.f32 v6, v7;
	vm1 =	veq.s32 v63, v5  }
0xdc: {  	v6 =	vsel vm1, v6, v59  }
0xdd: {  	(xrf0) =	vmax.scan.msk.f32 $0xffff, v6  }
0xde: {  	(xrf0) =	vmax.scan.msk.f32 $0xffff, v9;
	_ =	sdelay $0x4  }
0xdf: {  	(v2sf) =	vpush v61, $0xF;
	v6, _, _ =	vpop (xrf0)  }
0xe0: {  	(v2sf) =	vpush v6, $0xF;
	v6, _, _ =	vpop (xrf0)  }
0xe1: {  	(v2sf) =	vpush v6, $0xF;
	_ =	sdelay $0xc  }
0xe2: {  	s29 =	spop (v2sf)  }
0xe3: {  	s30 =	spop (v2sf)  }
0xe4: {  	s16 =	spop (v2sf)  }
0xe5: {  	s4 =	ssub.f32 s29, s30;
	p0 =	seq.f32 s16, s29  }
0xe6: {  	_ = 	snop  }
0xe7: {  	s4 =	simm.s32 @!p0 $0x0  }
0xe8: {  	s31 =	smax.f32 s26, s31;
	v6 =	vmov s4  }
0xe9: {  	s0 =	smax.f32 s31, s17;
	v6 =	vnsel vm0, $0x0, v6  }
0xea: {  	s26 =	simm.s32 $0x1;
	s28 =	smax.f32 s0, s29;
	[tilespmem:$0x10200] =	vst v6  }
.LBB2_6:
0xeb: {  	p0 =	seq.s32 s26, $0x1  }
.Ltmp2:
0xec: {  	_ = 	snop;
	(pc) =	sbr.rel @p0 .LBB2_10-.Ltmp2, $2  }
0xed: {  	_ =	sdelay $0x2  }
0xee: {  	s25 =	smov.u32 s28;
	s28 =	smov.u32 s1  }
0xef: {  	p0 =	seq.s32 s26, $0x3  }
.Ltmp3:
0xf0: {  	_ = 	snop;
	(pc) =	sbr.rel @p0 .LBB2_9-.Ltmp3, $1  }
0xf1: {  	_ =	sdelay $0x3  }
.Ltmp4:
0xf2: {  	p0 =	sne.s32 s26, $0x2;
	(pc) =	sbr.rel .LBB2_11-.Ltmp4, $4  }
0xf3: {  	s0 =	simm.s32 @!p0 $0x200  }
0xf4: {  	s3 =	simm.s32 @!p0 $0x400;
	s4 =	simm.s32 @!p0 $0x8000;
	s29 =	simm.s32 @!p0 $0x1  }
0xf5: {  	[tilespmem:s4], [sflag:$0x2] =	stream.strided.gather @!p0 [hbm4b:s10+s0], $0x8000, s3, s0, $0x38;
	[tilespmem:$0x10500] =	vst v63  }
0xf6: {  	s29 =	simm.s32 @p0 $0x1  }
.LBB2_9:
0xf7: {  	s28 =	smov.u32 s2  }
.LBB2_10:
0xf8: {  	s0 =	sadd.s32 s28, s6;
	s29 =	simm.s32 $0x2  }
0xf9: {  	[tilespmem:s5], [sflag:$0x1] =	stream.strided.gather [hbm4b:s0+s14], $0x8000, s15, s14, $0x38;
	[tilespmem:$0x10500] =	vst v63  }
.LBB2_11:
0xfa: {  	s0 =	sand.u32 $0x1, s26;
	s3 =	simm.s32 $0x0  }
0xfb: {  	_ =	swait.ge [sflag:s29], $0x8000;
	s28 =	sshll.u32 s0, $0xF;
	s22 =	sand.u32 $0x7E00, s3  }
0xfc: {  	[sflag:s29] =	ssyncset.done $0x0;
	s3 =	sand.u32 $0x40, s3;
	s0 =	sadd.s32 s22, s28  }
0xfd: {  	[sflag:s29] =	ssyncadd.s32 $0xFFFF8000;
	s29 =	sadd.s32 s3, s0  }
0xfe: {  	v8 =	vld [tilespmem:s29+$0x100]  }
0xff: {  	v10 =	vld [tilespmem:s29+$0x190]  }
0x100: {  	v6 =	vld [tilespmem:s29+$0x180]  }
0x101: {  	v12 =	vld [tilespmem:s29+$0x80]  }
0x102: {  	v16 =	vld [tilespmem:s29+$0x0]  }
0x103: {  	v15 =	vld [tilespmem:s29+$0x1A0]  }
0x104: {  	v9 =	vimm.f32 $-Inf;
	v18 =	vld [tilespmem:s29+$0x90]  }
0x105: {  	v25 =	vimm.f32 $-Inf;
	v7 =	vld [tilespmem:s29+$0x120];
	v11 =	vmax.f32 v9, v8  }
0x106: {  	v13 =	vld [tilespmem:s29+$0x110];
	v14 =	vmin.f32 v9, v6;
	v19 =	vmax.f32 v9, v6;
	v20 =	vmin.f32 v9, v12  }
0x107: {  	v17 =	vld [tilespmem:s29+$0xA0];
	v21 =	vmax.f32 v9, v12;
	v23 =	vmin.f32 v9, v16;
	v12 =	vmax.f32 v9, v14  }
0x108: {  	v6 =	vld [tilespmem:s29+$0x1B0];
	v14 =	vmin.f32 v9, v8;
	v24 =	vmax.f32 v19, v10;
	v20 =	vmax.f32 v9, v20  }
0x109: {  	v10 =	vmin.f32 v19, v10;
	v19 =	vld [tilespmem:s29+$0x30];
	v22 =	vmin.f32 v21, v18;
	v8 =	vmax.f32 v24, v15  }
0x10a: {  	s30 =	simm.s32 $0x40;
	s31 =	simm.s32 $0x100;
	v10 =	vmax.f32 v12, v10;
	v12 =	vmin.f32 v24, v15;
	v15 =	vld [tilespmem:s29+$0xB0];
	v24 =	vimm.f32 $-Inf  }
.LBB2_12:
0x10b: {  	s0 =	sand.u32 $0x7E00, s31  }
0x10c: {  	p0 =	sne.s32 s30, $0x1FC0;
	v18 =	vmax.f32 v21, v18;
	v21 =	vmin.f32 v11, v13;
	v11 =	vmax.f32 v11, v13;
	v13 =	vld [tilespmem:s29+$0x20];
	s3 =	smov.u32 s30;
	s30 =	sadd.s32 $0x40, s30  }
0x10d: {  	v20 =	vmax.f32 v20, v22;
	v10 =	vmax.f32 v10, v12;
	s3 =	sand.u32 $0x40, s3;
	s0 =	sadd.s32 s0, s28;
	v12 =	vld [tilespmem:s29+$0x130];
	v22 =	vmax.f32 v8, v6  }
0x10e: {  	v9 =	vmax.f32 v9, v14;
	v27 =	vmin.f32 v11, v7;
	v14 =	vld [tilespmem:s29+$0x10];
	s29 =	sadd.s32 s3, s0;
	v26 =	vmin.f32 v18, v17  }
0x10f: {  	v6 =	vmin.f32 v8, v6;
	v17 =	vmax.f32 v18, v17;
	v28 =	vld [tilespmem:s29+$0x100];
	v20 =	vmax.f32 v20, v26  }
0x110: {  	v9 =	vmax.f32 v9, v21;
	v6 =	vmax.f32 v10, v6;
	v8 =	vld [tilespmem:s29+$0x120];
	v18 =	vmin.f32 v17, v15  }
0x111: {  	v7 =	vmax.f32 v11, v7;
	v9 =	vmax.f32 v9, v27;
	v10 =	vld [tilespmem:s29+$0x190];
	v20 =	vmax.f32 v20, v18  }
0x112: {  	v11 =	vmax.f32 v25, v16;
	v15 =	vmax.f32 v17, v15;
	v18 =	vmax.f32 v24, v23;
	v21 =	vld [tilespmem:s29+$0x180]  }
0x113: {  	v24 =	vmin.f32 v7, v12;
	v12 =	vmax.f32 v7, v12;
	v17 =	vld [tilespmem:s29+$0x80];
	v23 =	vmax.f32 v11, v14  }
0x114: {  	v25 =	vmin.f32 v11, v14;
	v9 =	vmax.f32 v9, v24;
	v16 =	vld [tilespmem:s29+$0x0];
	v14 =	vmin.f32 v23, v13  }
0x115: {  	v11 =	vmax.f32 v12, v28;
	v24 =	vmax.f32 v18, v25;
	v13 =	vmax.f32 v23, v13;
	v26 =	vld [tilespmem:s29+$0x1A0];
	v7 =	vmovc v8  }
0x116: {  	v8 =	vmax.f32 v24, v14;
	v14 =	vmin.f32 v13, v19;
	v25 =	vmax.f32 v13, v19;
	v18 =	vld [tilespmem:s29+$0x90]  }
.Ltmp5:
0x117: {  	v24 =	vmax.f32 v8, v14;
	v19 =	vmin.f32 v22, v21;
	v22 =	vmax.f32 v22, v21;
	v13 =	vld [tilespmem:s29+$0x110];
	(pc) =	sbr.rel @p0 .LBB2_12-.Ltmp5, $4  }
0x118: {  	v8 =	vmin.f32 v15, v17;
	v21 =	vmax.f32 v15, v17;
	v15 =	vmax.f32 v6, v19;
	v6 =	vld [tilespmem:s29+$0x1B0]  }
0x119: {  	v14 =	vmin.f32 v12, v28;
	v12 =	vmax.f32 v22, v10;
	v23 =	vmin.f32 v25, v16;
	v17 =	vld [tilespmem:s29+$0xA0]  }
0x11a: {  	v10 =	vmin.f32 v22, v10;
	v20 =	vmax.f32 v20, v8;
	v8 =	vmax.f32 v12, v26;
	v19 =	vld [tilespmem:s29+$0x30]  }
0x11b: {  	s31 =	sadd.s32 $0x100, s31;
	v10 =	vmax.f32 v15, v10;
	v12 =	vmin.f32 v12, v26;
	v22 =	vmin.f32 v21, v18;
	v15 =	vld [tilespmem:s29+$0xB0]  }
0x11c: {  	v26 =	vld [tilespmem:s29+$0x10]  }
0x11d: {  	v27 =	vld [tilespmem:s29+$0x20];
	_ =	sdelay $0x2  }
0x11e: {  	v16 =	vmax.f32 v25, v16  }
0x11f: {  	v28 =	vld.idx.msk [tilespmem:v0+s18+$0x0], $0xffff;
	v25 =	vmax.f32 v16, v26  }
0x120: {  	v29 =	vmax.f32 v25, v27  }
0x121: {  	v30 =	vmax.f32 v29, v19  }
0x122: {  	(xrf0) =	vmax.scan.msk.f32 $0xffff, v30;
	_ =	sdelay $0x1  }
0x123: {  	v31 =	vshll.u32 v28, $0x2  }
0x124: {  	v31 =	vand.u32 $0xFFFFFE00, v31  }
0x125: {  	v28 =	vand.u32 $0x7F, v28;
	v31 =	vadd.s32 s28, v31  }
0x126: {  	v28 =	vor.u32 v28, v31  }
0x127: {  	v63, _, _ =	vpop (xrf0)  }
0x128: {  	v32 =	vbroadcast v63, $0xF;
	_ =	sdelay $0x1  }
0x129: {  	v23 =	vmax.f32 v24, v23;
	v16 =	vmin.f32 v16, v26;
	vm1 =	veq.f32 v30, v32  }
0x12a: {  	v33 =	vmin.f32 v25, v27;
	v16 =	vmax.f32 v23, v16;
	v35 =	vld.idx.msk [tilespmem:v28+s5+$0x0], $0xffff;
	v34 =	vmctz.xlane vm1  }
0x12b: {  	v16 =	vmax.f32 v16, v33;
	v36 =	vmin.f32 v29, v19  }
0x12c: {  	v16 =	vmax.f32 v16, v36;
	vm1 =	veq.s32 v34, v5  }
0x12d: {  	v16 =	vsel vm1, v16, v30  }
0x12e: {  	(xrf0) =	vmax.scan.msk.f32 $0xffff, v16  }
0x12f: {  	(xrf0) =	vmax.scan.msk.f32 $0xffff, v35;
	_ =	sdelay $0x4  }
0x130: {  	(v2sf) =	vpush v63, $0xF;
	v16, _, _ =	vpop (xrf0)  }
0x131: {  	(v2sf) =	vpush v16, $0xF;
	v37, _, _ =	vpop (xrf0)  }
0x132: {  	(v2sf) =	vpush v37, $0xF;
	_ =	sdelay $0xc  }
0x133: {  	s30 =	spop (v2sf)  }
0x134: {  	v38 =	vld [tilespmem:$0x10080];
	s0 =	spop (v2sf)  }
0x135: {  	s3 =	spop (v2sf)  }
0x136: {  	s0 =	ssub.f32 s30, s0;
	p0 =	seq.f32 s3, s30  }
0x137: {  	v39 =	vmov s26  }
0x138: {  	vm1 =	veq.s32 v39, v5;
	s0 =	simm.s32 @!p0 $0x0  }
0x139: {  	v16 =	vsel vm1, s0, v38  }
0x13a: {  	v40 =	vld [tilespmem:s29+$0x130];
	[tilespmem:$0x10080] =	vst v16  }
0x13b: {  	v16 =	vld.idx.msk [tilespmem:v1+s18+$0x0], $0xffff  }
0x13c: {  	v18 =	vmax.f32 v21, v18  }
0x13d: {  	v21 =	vmax.f32 v18, v17  }
0x13e: {  	v41 =	vmax.f32 v21, v15  }
0x13f: {  	(xrf0) =	vmax.scan.msk.f32 $0xffff, v41  }
0x140: {  	v42 =	vshll.u32 v16, $0x2  }
0x141: {  	v24 =	vand.u32 $0xFFFFFE00, v42  }
0x142: {  	v16 =	vand.u32 $0x7F, v16;
	v24 =	vadd.s32 s28, v24  }
0x143: {  	v16 =	vor.u32 v16, v24  }
0x144: {  	v16 =	vor.u32 $0x80, v16  }
0x145: {  	v43, _, _ =	vpop (xrf0)  }
0x146: {  	v44 =	vbroadcast v43, $0xF;
	_ =	sdelay $0x1  }
0x147: {  	vm2 =	veq.f32 v41, v44  }
0x148: {  	v20 =	vmax.f32 v20, v22;
	v45 =	vmin.f32 v18, v17;
	v46 =	vmctz.xlane vm2;
	v16 =	vld.idx.msk [tilespmem:v16+s5+$0x0], $0xffff  }
0x149: {  	v17 =	vmax.f32 v20, v45;
	v47 =	vmin.f32 v21, v15  }
0x14a: {  	v15 =	vmax.f32 v17, v47;
	vm2 =	veq.s32 v46, v5  }
0x14b: {  	v15 =	vsel vm2, v15, v41  }
0x14c: {  	(xrf0) =	vmax.scan.msk.f32 $0xffff, v15  }
0x14d: {  	(xrf0) =	vmax.scan.msk.f32 $0xffff, v16;
	_ =	sdelay $0x4  }
0x14e: {  	(v2sf) =	vpush v43, $0xF;
	v15, _, _ =	vpop (xrf0)  }
0x14f: {  	(v2sf) =	vpush v15, $0xF;
	v48, _, _ =	vpop (xrf0)  }
0x150: {  	(v2sf) =	vpush v48, $0xF;
	_ =	sdelay $0xc  }
0x151: {  	s29 =	spop (v2sf)  }
0x152: {  	v49 =	vld [tilespmem:$0x10100];
	s16 =	spop (v2sf)  }
0x153: {  	s17 =	spop (v2sf)  }
0x154: {  	s0 =	ssub.f32 s29, s16;
	p0 =	seq.f32 s17, s29  }
0x155: {  	_ = 	snop  }
0x156: {  	s0 =	simm.s32 @!p0 $0x0  }
0x157: {  	v15 =	vsel vm1, s0, v49  }
0x158: {  	[tilespmem:$0x10100] =	vst v15  }
0x159: {  	v15 =	vld.idx.msk [tilespmem:v2+s18+$0x0], $0xffff  }
0x15a: {  	v50 =	vmax.f32 v11, v13  }
0x15b: {  	v51 =	vmax.f32 v50, v7  }
0x15c: {  	v52 =	vmax.f32 v51, v40  }
0x15d: {  	(xrf0) =	vmax.scan.msk.f32 $0xffff, v52  }
0x15e: {  	v53 =	vshll.u32 v15, $0x2  }
0x15f: {  	v20 =	vand.u32 $0xFFFFFE00, v53  }
0x160: {  	v15 =	vand.u32 $0x7F, v15;
	v20 =	vadd.s32 s28, v20  }
0x161: {  	v15 =	vor.u32 v15, v20  }
0x162: {  	v15 =	vor.u32 $0x100, v15  }
0x163: {  	v54, _, _ =	vpop (xrf0)  }
0x164: {  	v55 =	vbroadcast v54, $0xF;
	_ =	sdelay $0x1  }
0x165: {  	v56 =	vmin.f32 v11, v13;
	v9 =	vmax.f32 v9, v14;
	vm2 =	veq.f32 v52, v55  }
0x166: {  	v7 =	vmin.f32 v50, v7;
	v9 =	vmax.f32 v9, v56;
	v57 =	vmctz.xlane vm2;
	v58 =	vld.idx.msk [tilespmem:v15+s5+$0x0], $0xffff  }
0x167: {  	v7 =	vmax.f32 v9, v7;
	v59 =	vmin.f32 v51, v40  }
0x168: {  	v7 =	vmax.f32 v7, v59;
	vm2 =	veq.s32 v57, v5  }
0x169: {  	v7 =	vsel vm2, v7, v52  }
0x16a: {  	(xrf0) =	vmax.scan.msk.f32 $0xffff, v7  }
0x16b: {  	(xrf0) =	vmax.scan.msk.f32 $0xffff, v58;
	_ =	sdelay $0x4  }
0x16c: {  	(v2sf) =	vpush v54, $0xF;
	v7, _, _ =	vpop (xrf0)  }
0x16d: {  	(v2sf) =	vpush v7, $0xF;
	v7, _, _ =	vpop (xrf0)  }
0x16e: {  	(v2sf) =	vpush v7, $0xF;
	_ =	sdelay $0xc  }
0x16f: {  	s0 =	spop (v2sf)  }
0x170: {  	s22 =	spop (v2sf);
	v7 =	vld [tilespmem:$0x10180]  }
0x171: {  	s4 =	spop (v2sf)  }
0x172: {  	s3 =	ssub.f32 s0, s22;
	p0 =	seq.f32 s4, s0  }
0x173: {  	_ = 	snop  }
0x174: {  	s3 =	simm.s32 @!p0 $0x0  }
0x175: {  	v7 =	vsel vm1, s3, v7  }
0x176: {  	[tilespmem:$0x10180] =	vst v7  }
0x177: {  	v7 =	vld.idx.msk [tilespmem:v3+s18+$0x0], $0xffff;
	_ =	sdelay $0x2  }
0x178: {  	v60 =	vmax.f32 v8, v6  }
0x179: {  	(xrf0) =	vmax.scan.msk.f32 $0xffff, v60  }
0x17a: {  	v61 =	vshll.u32 v7, $0x2  }
0x17b: {  	v11 =	vand.u32 $0xFFFFFE00, v61  }
0x17c: {  	v7 =	vand.u32 $0x7F, v7;
	v11 =	vadd.s32 s28, v11  }
0x17d: {  	v7 =	vor.u32 v7, v11  }
0x17e: {  	v7 =	vor.u32 $0x180, v7  }
0x17f: {  	v62, _, _ =	vpop (xrf0)  }
0x180: {  	v63 =	vbroadcast v62, $0xF;
	_ =	sdelay $0x1  }
0x181: {  	vm2 =	veq.f32 v60, v63  }
0x182: {  	v13 =	vmctz.xlane vm2;
	v7 =	vld.idx.msk [tilespmem:v7+s5+$0x0], $0xffff  }
0x183: {  	v10 =	vmax.f32 v10, v12;
	v6 =	vmin.f32 v8, v6  }
0x184: {  	v6 =	vmax.f32 v10, v6;
	vm2 =	veq.s32 v13, v5  }
0x185: {  	v6 =	vsel vm2, v6, v60  }
0x186: {  	(xrf0) =	vmax.scan.msk.f32 $0xffff, v6  }
0x187: {  	(xrf0) =	vmax.scan.msk.f32 $0xffff, v7;
	_ =	sdelay $0x4  }
0x188: {  	(v2sf) =	vpush v62, $0xF;
	v6, _, _ =	vpop (xrf0)  }
0x189: {  	(v2sf) =	vpush v6, $0xF;
	v6, _, _ =	vpop (xrf0)  }
0x18a: {  	(v2sf) =	vpush v6, $0xF;
	_ =	sdelay $0xc  }
0x18b: {  	s31 =	spop (v2sf)  }
0x18c: {  	s16 =	spop (v2sf)  }
0x18d: {  	s3 =	smax.f32 s25, s30;
	s17 =	spop (v2sf)  }
0x18e: {  	p0 =	seq.s32 s26, $0x4;
	s16 =	ssub.f32 s31, s16;
	p1 =	seq.f32 s17, s31  }
0x18f: {  	s26 =	sadd.s32 $0x1, s26;
	s3 =	smov.u32 @p0 s25;
	v6 =	vld [tilespmem:$0x10200]  }
0x190: {  	s3 =	smax.f32 s3, s29;
	s16 =	simm.s32 @!p1 $0x0;
	p1 =	sne.s32 s26, $0x5  }
.Ltmp6:
0x191: {  	s3 =	smov.u32 @p0 s25;
	(pc) =	sbr.rel @p1 .LBB2_6-.Ltmp6, $4  }
0x192: {  	s0 =	smax.f32 s3, s0  }
0x193: {  	s0 =	smov.u32 @p0 s25  }
0x194: {  	s28 =	smax.f32 s0, s31;
	v6 =	vsel vm1, s16, v6  }
0x195: {  	s28 =	smov.u32 @p0 s25;
	[tilespmem:$0x10200] =	vst v6  }
0x196: {  	v6 =	vld [tilespmem:$0x10080];
	_ =	sdelay $0x3  }
0x197: {  	vm1 =	vmmov $0x1f  }
0x198: {  	v7 =	vnsel vm1, $0xFF800000, v6  }
0x199: {  	(xrf0) =	vmax.scan.msk.f32 $0xffff, v7;
	_ =	sdelay $0x5  }
0x19a: {  	v7, _, _ =	vpop (xrf0)  }
0x19b: {  	v7 =	vbroadcast v7, $0xF;
	_ =	sdelay $0x1  }
0x19c: {  	v6 =	vsub.f32 v6, v7;
	_ =	sdelay $0x1  }
0x19d: {  	v6 =	vmul.f32 $5.000000000e-01, v6;
	_ =	sdelay $0x1  }
0x19e: {  	v6 =	vmul.f32 $1.442695020e+00, v6;
	_ =	sdelay $0x1  }
0x19f: {  	(erf) = vpow2.f32 v6;
	_ =	sdelay $0x3  }
0x1a0: {  	v6 =	vld [tilespmem:$0x10100];
	_ =	sdelay $0x4  }
0x1a1: {  	v8 =	vnsel vm1, $0xFF800000, v6;
	v7 =	vpop (erf)  }
0x1a2: {  	(xrf0) =	vmax.scan.msk.f32 $0xffff, v8;
	v7 =	vnsel vm1, $0x0, v7  }
0x1a3: {  	(xrf2) =	vadd.scan.msk.f32 $0xffff, v7;
	_ =	sdelay $0x4  }
0x1a4: {  	v8, _, _ =	vpop (xrf0)  }
0x1a5: {  	v8 =	vbroadcast v8, $0xF;
	_ =	sdelay $0x1  }
0x1a6: {  	v6 =	vsub.f32 v6, v8;
	_ =	sdelay $0x1  }
0x1a7: {  	v6 =	vmul.f32 $5.000000000e-01, v6;
	v59, _, _ =	vpop (xrf2)  }
0x1a8: {  	v8 =	vbroadcast v59, $0xF  }
0x1a9: {  	v6 =	vmul.f32 $1.442695020e+00, v6  }
0x1aa: {  	(erf) = vrcp.f32 v8  }
0x1ab: {  	(erf) = vpow2.f32 v6;
	_ =	sdelay $0x3  }
0x1ac: {  	v6 =	vld [tilespmem:$0x10180];
	_ =	sdelay $0x3  }
0x1ad: {  	v8 =	vpop (erf)  }
0x1ae: {  	v10 =	vnsel vm1, $0xFF800000, v6;
	v9 =	vpop (erf)  }
0x1af: {  	(xrf0) =	vmax.scan.msk.f32 $0xffff, v10;
	v9 =	vnsel vm1, $0x0, v9  }
0x1b0: {  	(xrf2) =	vadd.scan.msk.f32 $0xffff, v9;
	_ =	sdelay $0x4  }
0x1b1: {  	v10, _, _ =	vpop (xrf0)  }
0x1b2: {  	v10 =	vbroadcast v10, $0xF;
	_ =	sdelay $0x1  }
0x1b3: {  	v6 =	vsub.f32 v6, v10;
	_ =	sdelay $0x1  }
0x1b4: {  	v6 =	vmul.f32 $5.000000000e-01, v6;
	v60, _, _ =	vpop (xrf2)  }
0x1b5: {  	v10 =	vbroadcast v60, $0xF  }
0x1b6: {  	v6 =	vmul.f32 $1.442695020e+00, v6  }
0x1b7: {  	(erf) = vrcp.f32 v10  }
0x1b8: {  	(erf) = vpow2.f32 v6;
	_ =	sdelay $0x3  }
0x1b9: {  	v6 =	vld [tilespmem:$0x10200];
	_ =	sdelay $0x3  }
0x1ba: {  	v10 =	vpop (erf)  }
0x1bb: {  	v12 =	vnsel vm1, $0xFF800000, v6;
	v11 =	vpop (erf)  }
0x1bc: {  	(xrf0) =	vmax.scan.msk.f32 $0xffff, v12;
	v11 =	vnsel vm1, $0x0, v11  }
0x1bd: {  	(xrf2) =	vadd.scan.msk.f32 $0xffff, v11;
	_ =	sdelay $0x4  }
0x1be: {  	v12, _, _ =	vpop (xrf0)  }
0x1bf: {  	v12 =	vbroadcast v12, $0xF;
	_ =	sdelay $0x1  }
0x1c0: {  	v6 =	vsub.f32 v6, v12;
	_ =	sdelay $0x1  }
0x1c1: {  	v6 =	vmul.f32 $5.000000000e-01, v6;
	v61, _, _ =	vpop (xrf2)  }
0x1c2: {  	v12 =	vbroadcast v61, $0xF  }
0x1c3: {  	v6 =	vmul.f32 $1.442695020e+00, v6  }
0x1c4: {  	(erf) = vrcp.f32 v12  }
0x1c5: {  	(erf) = vpow2.f32 v6;
	_ =	sdelay $0x7  }
0x1c6: {  	v6 =	vpop (erf)  }
0x1c7: {  	v62 =	vpop (erf)  }
0x1c8: {  	v12 =	vnsel vm1, $0x0, v62  }
0x1c9: {  	(xrf2) =	vadd.scan.msk.f32 $0xffff, v12;
	_ =	sdelay $0x9  }
0x1ca: {  	v13, _, _ =	vpop (xrf2)  }
0x1cb: {  	v13 =	vbroadcast v13, $0xF;
	_ =	sdelay $0x1  }
0x1cc: {  	(erf) = vrcp.f32 v13;
	_ =	sdelay $0x4  }
0x1cd: {  	v7 =	vmul.f32 v8, v7;
	_ =	sdelay $0x1  }
0x1ce: {  	v63 =	vmul.f32 v10, v9  }
0x1cf: {  	[tilespmem:$0x10280] =	vst v7;
	v6 =	vmul.f32 v6, v11  }
0x1d0: {  	[tilespmem:$0x10300] =	vst v63;
	v7 =	vpop (erf)  }
0x1d1: {  	[tilespmem:$0x10380] =	vst v6;
	v6 =	vmov s25;
	v7 =	vmul.f32 v7, v12  }
0x1d2: {  	[tilespmem:$0x10480] =	vst v6  }
0x1d3: {  	s0 =	simm.s32 $0x10280;
	[tilespmem:$0x10400] =	vst v7  }
0x1d4: {  	[hbm4b:s11+s5] =	stream.linear.scatter [tilespmem:s0], [sflag:$0x4], $0x200, $0x38;
	[tilespmem:$0x10500] =	vst v63  }
0x1d5: {  	s24 =	sadd.s32 $0x1, s24;
	_ =	swait.ge [sflag:s19], $0x200  }
0x1d6: {  	p0 =	sne.s32 s24, s13;
	[sflag:s19] =	ssyncset.done $0x0  }
.Ltmp7:
0x1d7: {  	[sflag:s19] =	ssyncadd.s32 $0xFFFFFE00;
	(pc) =	sbr.rel @p0 .LBB2_1-.Ltmp7, $4  }
0x1d8: {  	[hbm4b:s12+s5] =	stream.linear.scatter [tilespmem:s23], [sflag:$0x4], $0x80, $0x38;
	[tilespmem:$0x10500] =	vst v63  }
0x1d9: {  	_ =	swait.ge [sflag:s19], $0x80  }
0x1da: {  	[sflag:s19] =	ssyncset.done $0x0  }
0x1db: {  	[sflag:s19] =	ssyncadd.s32 $0xFFFFFF80  }
0x1dc: {  	_ =	sfence.sel $0x180000  }
0x1dd: {  	[bflag:$0x0] =	sbarrier.arrive $0xFFFF  }
0x1de: {  	_ =	strace $0x90000047  }
0x1df: {  	s0 =	stileid.u32;
	[bflag:$0x2] =	sbarrier.arrive $0xFFFF  }
0x1e0: {  	p0 =	sne.s32 s0, $0x0;
	s0 =	rddreg [dreg:$0x7]  }
0x1e1: {  	s0 =	sadd.s32 @!p0 $0x100000, s0  }
0x1e2: {  	[sflag:s0] =	ssyncadd.tile.s32 @!p0 $0x1;
	_ =	shalt  }
.Lfunc_end2:
_tile_overlayer_lowered:
.L_overlay_start_2:
0x1e3: {  	(tag) =	ssettag $0x2  }
0x1e4: {  	s0 =	rddreg [dreg:$0x0];
	s2 =	stileid.u32  }
0x1e5: {  	s1 =	rddreg [dreg:$0x1];
	p0 =	sne.s32 s2, $0x0  }
0x1e6: {  	s3 =	rddreg [dreg:$0x2];
	[bflag:$0x3] =	sbarrier.arrive $0xFFFF;
	s2 =	simm.s32 @!p0 $0x1C04  }
0x1e7: {  	[timem:s3], [sflag:s2] =	dma.local @!p0 [hbm:s0], s1  }
0x1e8: {  	s0 =	simm.s32 @!p0 $0x4  }
0x1e9: {  	_ =	swait.ge @!p0 [sflag:s0], s1  }
0x1ea: {  	s1 =	ssub.s32 @!p0 $0x0, s1;
	[sflag:s0] =	ssyncset.done @!p0 $0x0  }
0x1eb: {  	[sflag:s0] =	ssyncadd.s32 @!p0 s1  }
0x1ec: {  	[bflag:$0x3] =	sbarrier.arrive $0xFFFF  }
0x1ed: {  	_ =	shalt  }

</sc_bundles>
